<compile_context>
chip_gen: v7x
topology: tpu7x:2x2x1
jax: 0.10.2.dev20260603
libtpu: 0.0.44.dev20260713+nightly
codegen_flags: <defaults>
</compile_context>

<pallas_src>
import functools

import jax
import jax.numpy as jnp
from jax import lax
from jax.experimental import pallas as pl
from jax.experimental.pallas import tpu as pltpu
from jax.experimental.pallas import tpu_sc as plsc

N_ROWS = 8192
C_DIM = 256
K_CODES = 8192
ROW_TILE = 256
K_CHUNK = 1024
N_TILES = N_ROWS // ROW_TILE
N_CHUNKS = K_CODES // K_CHUNK


def _argmin_body(x_ref, cb_ref, idx_ref, mind2_ref, cbsq_s, iota_s, xsqb_s):
    @pl.when(pl.program_id(0) == 0)
    def _init():
        for c in range(N_CHUNKS):
            cbc = cb_ref[pl.ds(c * K_CHUNK, K_CHUNK), :]
            s = jnp.sum(cbc * cbc, axis=1)
            cbsq_s[0, pl.ds(c * K_CHUNK, K_CHUNK)] = s
        iota_s[0, :] = lax.broadcasted_iota(jnp.int32, (K_CODES,), 0)

    xt = x_ref[...]
    x_sq = jnp.sum(xt * xt, axis=1, keepdims=True)
    xt2 = xt + xt
    xsqb_s[...] = jnp.broadcast_to(x_sq, (ROW_TILE, K_CHUNK))

    run_d = jnp.full((ROW_TILE, 128), jnp.inf, jnp.float32)
    run_i = jnp.full((ROW_TILE, 128), K_CODES, jnp.int32)
    for c in range(N_CHUNKS):
        cb = cb_ref[c * K_CHUNK:(c + 1) * K_CHUNK, :]
        cross2 = lax.dot_general(
            xt2, cb, (((1,), (1,)), ((), ())),
            preferred_element_type=jnp.float32)
        cbsq = cbsq_s[0:1, c * K_CHUNK:(c + 1) * K_CHUNK]
        d2 = (xsqb_s[...] - cross2) + cbsq
        dist = jnp.sqrt(jnp.maximum(d2, 0.0))
        for j in range(K_CHUNK // 128):
            dj = dist[:, j * 128:(j + 1) * 128]
            kj = jnp.broadcast_to(
                iota_s[0:1, c * K_CHUNK + j * 128:c * K_CHUNK + (j + 1) * 128],
                (ROW_TILE, 128))
            take = dj < run_d
            run_d = jnp.where(take, dj, run_d)
            run_i = jnp.where(take, kj, run_i)

    loc = jnp.min(run_d, axis=1, keepdims=True)
    best_i = jnp.min(jnp.where(run_d == loc, run_i, K_CODES), axis=1)
    idx_ref[0, 0, :] = best_i
    mind2_ref[0, 0, :] = (loc * loc)[:, 0]


def _argmin_call(xp, codebook):
    return pl.pallas_call(
        _argmin_body,
        grid=(N_TILES,),
        in_specs=[
            pl.BlockSpec((ROW_TILE, C_DIM), lambda i: (i, 0)),
            pl.BlockSpec((K_CODES, C_DIM), lambda i: (0, 0)),
        ],
        out_specs=[
            pl.BlockSpec((1, 1, ROW_TILE), lambda i: (i, 0, 0)),
            pl.BlockSpec((1, 1, ROW_TILE), lambda i: (i, 0, 0)),
        ],
        out_shape=[
            jax.ShapeDtypeStruct((N_TILES, 1, ROW_TILE), jnp.int32),
            jax.ShapeDtypeStruct((N_TILES, 1, ROW_TILE), jnp.float32),
        ],
        scratch_shapes=[
            pltpu.VMEM((1, K_CODES), jnp.float32),
            pltpu.VMEM((1, K_CODES), jnp.int32),
            pltpu.VMEM((ROW_TILE, K_CHUNK), jnp.float32),
        ],
    )(xp, codebook)


def _make_sc_gather():
    info = plsc.get_sparse_core_info()
    nw = info.num_cores * info.num_subcores
    b_per_w = N_ROWS // nw
    mesh = plsc.VectorSubcoreMesh(core_axis_name="c", subcore_axis_name="s")

    @functools.partial(
        pl.kernel, mesh=mesh,
        out_type=jax.ShapeDtypeStruct((N_ROWS, C_DIM), jnp.float32),
        scratch_types=[
            pltpu.VMEM((b_per_w,), jnp.int32),
            pltpu.VMEM((b_per_w, C_DIM), jnp.float32),
            pltpu.SemaphoreType.DMA,
        ],
    )
    def gather(table_hbm, idx_hbm, out_hbm, idx_v, rows_v, sem):
        wid = lax.axis_index("s") * info.num_cores + lax.axis_index("c")
        base = wid * b_per_w
        pltpu.sync_copy(idx_hbm.at[pl.ds(base, b_per_w)], idx_v)
        pltpu.async_copy(table_hbm.at[idx_v], rows_v, sem).wait()
        pltpu.sync_copy(rows_v, out_hbm.at[pl.ds(base, b_per_w)])

    return gather


_sc_gather = None


def kernel(x, codebook):
    global _sc_gather
    if _sc_gather is None:
        _sc_gather = _make_sc_gather()
    B, C, L = x.shape
    xp = jnp.transpose(x, (0, 2, 1)).reshape(N_ROWS, C_DIM)
    idx3, mind2 = _argmin_call(xp, codebook)
    idx_flat = idx3.reshape(N_ROWS)
    quant = _sc_gather(codebook, idx_flat)
    loss = jnp.sum(mind2) / (N_ROWS * C_DIM)
    quant_st = jnp.transpose(quant.reshape(B, L, C), (0, 2, 1))
    return quant_st, loss, loss, idx_flat.reshape(B, L)

# --- scband reference (transcript-rebuilt; emitter-appended) ---
"""Pipeline reference for scband-quantizer-4355096838566 (READ-ONLY COPY).

The authoritative reference and input builder live on the scoring server;
editing this copy changes nothing except your own understanding.
"""

import jax, jax.numpy as jnp
import numpy as np

CODEBOOK_SIZE = 8192
Z_CHANNELS = 256


def setup_inputs(seed: int = 0) -> dict:
    key = jax.random.key(seed)
    k1, k2 = jax.random.split(key)
    x = jax.random.normal(k1, (8, 256, 1024), dtype=jnp.float32)
    codebook = jax.random.normal(k2, (CODEBOOK_SIZE, Z_CHANNELS), dtype=jnp.float32)
    return {"x": x, "codebook": codebook}


def reference(x, codebook):
    B, C, L = x.shape
    xp = jnp.transpose(x, (0, 2, 1))  # (B, L, C)
    # torch.cdist (p=2, euclidean) between xp (B,L,C) and codebook (K,C)
    x_sq = jnp.sum(xp * xp, axis=-1, keepdims=True)          # (B, L, 1)
    cb_sq = jnp.sum(codebook * codebook, axis=-1)            # (K,)
    cross = jnp.einsum('blc,kc->blk', xp, codebook)          # (B, L, K)
    d2 = x_sq - 2.0 * cross + cb_sq[None, None, :]
    dist = jnp.sqrt(jnp.maximum(d2, 0.0))
    min_encoding_indices = jnp.argmin(dist, axis=-1)         # (B, L)
    quant_out = jnp.take(codebook, min_encoding_indices.reshape(-1), axis=0)  # (B*L, C)
    x_flat = xp.reshape(-1, C)
    commitment_loss = jnp.mean((jax.lax.stop_gradient(quant_out) - x_flat) ** 2)
    codebook_loss = jnp.mean((quant_out - jax.lax.stop_gradient(x_flat)) ** 2)
    # straight-through estimator
    quant_st = x_flat + jax.lax.stop_gradient(quant_out - x_flat)
    quant_st = jnp.transpose(quant_st.reshape(B, L, C), (0, 2, 1))  # (B, C, L)
    return quant_st, codebook_loss, commitment_loss, min_encoding_indices

if __name__ == "__main__":
    import jax
    _d = setup_inputs()
    print(jax.jit(kernel)(*tuple(_d.values())))

</pallas_src>

<mosaic_0001>
#map = affine_map<(d0, d1) -> (0, 0)>
#map1 = affine_map<(d0, d1) -> (0)>
module attributes {stable_mosaic.version = 14 : i64} {
  func.func @gather(%arg0: i32, %arg1: i32, %arg2: memref<8192x256xf32, #tpu.memory_space<hbm>>, %arg3: memref<8192xi32, #tpu.memory_space<hbm>>, %arg4: memref<8192x256xf32, #tpu.memory_space<hbm>>, %arg5: memref<256xi32, #tpu.memory_space<vmem>>, %arg6: memref<256x256xf32, #tpu.memory_space<vmem>>, %arg7: memref<!tpu.dma_semaphore, #tpu.memory_space<semaphore_mem>>) attributes {dimension_semantics = [#tpu.dimension_semantics<core_parallel>, #tpu.dimension_semantics<subcore_parallel>], iteration_bounds = array<i64: 2, 16>, scalar_prefetch = 0 : i64, scratch_operands = 3 : i64, tpu.core_type = #tpu.core_type<sc_vector_subcore>, window_params = [{transform_indices = #map}, {transform_indices = #map1}, {transform_indices = #map}]} {
    %mul3A = arith.constant 2 : i32
    %mul3A_0 = arith.muli %arg1, %mul3A : i32
    %add3A = arith.addi %mul3A_0, %arg0 : i32
    %mul3A_1 = arith.constant 256 : i32
    %mul3A_2 = arith.muli %add3A, %mul3A_1 : i32
    "tpu.region"() ({
      %run_scoped3A = tpu.sem_alloc : memref<!tpu.dma_semaphore, #tpu.memory_space<semaphore_mem>>
      %dma_start3A_7 = tpu.memref_slice %arg3[%mul3A_2] : memref<8192xi32, #tpu.memory_space<hbm>> -> memref<256xi32, #tpu.memory_space<hbm>>
      %dma_start3A_8 = tpu.memref_slice %arg3[%mul3A_2] : memref<8192xi32, #tpu.memory_space<hbm>> -> memref<256xi32, #tpu.memory_space<hbm>>
      tpu.enqueue_dma source(%dma_start3A_8 : memref<256xi32, #tpu.memory_space<hbm>>) target(%arg5 : memref<256xi32, #tpu.memory_space<vmem>>) target_semaphore(%run_scoped3A : memref<!tpu.dma_semaphore, #tpu.memory_space<semaphore_mem>>)
      %dma_wait3A_9 = tpu.memref_slice %arg3[%mul3A_2] : memref<8192xi32, #tpu.memory_space<hbm>> -> memref<256xi32, #tpu.memory_space<hbm>>
      %dma_wait3A_10 = tpu.memref_slice %arg3[%mul3A_2] : memref<8192xi32, #tpu.memory_space<hbm>> -> memref<256xi32, #tpu.memory_space<hbm>>
      tpu.wait_dma2 semaphore(%run_scoped3A : memref<!tpu.dma_semaphore, #tpu.memory_space<semaphore_mem>>) src(%dma_wait3A_10 : memref<256xi32, #tpu.memory_space<hbm>>) dst(%arg5 : memref<256xi32, #tpu.memory_space<vmem>>)
      tpu.yield
    }) : () -> ()
    %dma_start3A = arith.constant 0 : i32
    %dma_start3A_3 = arith.constant 0 : i32
    %dma_start3A_4 = tpu.memref_slice %arg2[%dma_start3A, %dma_start3A_3] : memref<8192x256xf32, #tpu.memory_space<hbm>> -> memref<8192x256xf32, #tpu.memory_space<hbm>>
    tpu.enqueue_indirect_dma source(%dma_start3A_4 : memref<8192x256xf32, #tpu.memory_space<hbm>>) target(%arg6 : memref<256x256xf32, #tpu.memory_space<vmem>>) offsets(%arg5 : memref<256xi32, #tpu.memory_space<vmem>>) semaphore(%arg7 : memref<!tpu.dma_semaphore, #tpu.memory_space<semaphore_mem>>)
    %dma_wait3A = arith.constant 0 : i32
    %dma_wait3A_5 = arith.constant 0 : i32
    %dma_wait3A_6 = tpu.memref_slice %arg2[%dma_wait3A, %dma_wait3A_5] : memref<8192x256xf32, #tpu.memory_space<hbm>> -> memref<8192x256xf32, #tpu.memory_space<hbm>>
    tpu.wait_indirect_dma semaphore(%arg7 : memref<!tpu.dma_semaphore, #tpu.memory_space<semaphore_mem>>) src(%dma_wait3A_6 : memref<8192x256xf32, #tpu.memory_space<hbm>>) dst(%arg6 : memref<256x256xf32, #tpu.memory_space<vmem>>)
    "tpu.region"() ({
      %run_scoped3A = tpu.sem_alloc : memref<!tpu.dma_semaphore, #tpu.memory_space<semaphore_mem>>
      %dma_start3A_7 = arith.constant 0 : i32
      %dma_start3A_8 = tpu.memref_slice %arg4[%mul3A_2, %dma_start3A_7] : memref<8192x256xf32, #tpu.memory_space<hbm>> -> memref<256x256xf32, #tpu.memory_space<hbm>>
      %dma_start3A_9 = arith.constant 0 : i32
      %dma_start3A_10 = tpu.memref_slice %arg4[%mul3A_2, %dma_start3A_9] : memref<8192x256xf32, #tpu.memory_space<hbm>> -> memref<256x256xf32, #tpu.memory_space<hbm>>
      tpu.enqueue_dma source(%arg6 : memref<256x256xf32, #tpu.memory_space<vmem>>) target(%dma_start3A_10 : memref<256x256xf32, #tpu.memory_space<hbm>>) target_semaphore(%run_scoped3A : memref<!tpu.dma_semaphore, #tpu.memory_space<semaphore_mem>>)
      %dma_wait3A_11 = arith.constant 0 : i32
      %dma_wait3A_12 = tpu.memref_slice %arg4[%mul3A_2, %dma_wait3A_11] : memref<8192x256xf32, #tpu.memory_space<hbm>> -> memref<256x256xf32, #tpu.memory_space<hbm>>
      %dma_wait3A_13 = arith.constant 0 : i32
      %dma_wait3A_14 = tpu.memref_slice %arg4[%mul3A_2, %dma_wait3A_13] : memref<8192x256xf32, #tpu.memory_space<hbm>> -> memref<256x256xf32, #tpu.memory_space<hbm>>
      tpu.wait_dma2 semaphore(%run_scoped3A : memref<!tpu.dma_semaphore, #tpu.memory_space<semaphore_mem>>) src(%arg6 : memref<256x256xf32, #tpu.memory_space<vmem>>) dst(%dma_wait3A_14 : memref<256x256xf32, #tpu.memory_space<hbm>>)
      tpu.yield
    }) : () -> ()
    return
  }
}

module attributes {stable_mosaic.version = 14 : i64} {
  func.func @_argmin_body(%arg0: i32, %arg1: memref<256x256xf32, #tpu.memory_space<vmem>>, %arg2: memref<8192x256xf32, #tpu.memory_space<vmem>>, %arg3: memref<1x1x256xi32, #tpu.memory_space<vmem>>, %arg4: memref<1x1x256xf32, #tpu.memory_space<vmem>>, %arg5: memref<1x8192xf32, #tpu.memory_space<vmem>>, %arg6: memref<1x8192xi32, #tpu.memory_space<vmem>>, %arg7: memref<256x1024xf32, #tpu.memory_space<vmem>>) attributes {dimension_semantics = [#tpu.dimension_semantics<arbitrary>], iteration_bounds = array<i64: 32>, scalar_prefetch = 0 : i64, scratch_operands = 3 : i64, tpu.core_type = #tpu.core_type<tc>, window_params = [{transform_indices = @transform_0, window_bounds = array<i64: 256, 256>}, {pipeline_mode = #tpu.pipeline_mode<synchronous>, transform_indices = @transform_1, window_bounds = array<i64: 8192, 256>}, {transform_indices = @transform_2, window_bounds = array<i64: 1, 1, 256>}, {transform_indices = @transform_3, window_bounds = array<i64: 1, 1, 256>}]} {
    %eq3A = arith.constant 0 : i32
    %eq3A_0 = arith.cmpi eq, %arg0, %eq3A : i32
    %convert_element_type3A = arith.extui %eq3A_0 : i1 to i32
    %cond3A = arith.constant 0 : i32
    %cond3A_1 = arith.cmpi ne, %convert_element_type3A, %cond3A : i32
    scf.if %cond3A_1 {
      %get3A_747 = arith.constant 0 : index
      %get3A_748 = arith.constant 0 : index
      %get3A_749 = vector.load %arg2[%get3A_747, %get3A_748] : memref<8192x256xf32, #tpu.memory_space<vmem>>, vector<1024x256xf32>
      %mul3A_750 = arith.mulf %get3A_749, %get3A_749 : vector<1024x256xf32>
      %reduce_sum3A_751 = arith.constant dense<0.000000e+00> : vector<1024xf32>
      %reduce_sum3A_752 = vector.multi_reduction <add>, %mul3A_750, %reduce_sum3A_751 [1] : vector<1024x256xf32> to vector<1024xf32>
      %swap3A_753 = arith.constant 0 : index
      %swap3A_754 = arith.constant 0 : index
      %swap3A_755 = vector.load %arg5[%swap3A_753, %swap3A_754] : memref<1x8192xf32, #tpu.memory_space<vmem>>, vector<1x1024xf32>
      %swap3A_756 = vector.shape_cast %swap3A_755 : vector<1x1024xf32> to vector<1024xf32>
      %swap3A_757 = vector.shape_cast %reduce_sum3A_752 : vector<1024xf32> to vector<1x1024xf32>
      tpu.vector_store %arg5[%swap3A_753, %swap3A_754], %swap3A_757 {strides = array<i32>} : memref<1x8192xf32, #tpu.memory_space<vmem>>, vector<1x1024xf32>,
      %get3A_758 = arith.constant 1024 : index
      %get3A_759 = arith.constant 0 : index
      %get3A_760 = vector.load %arg2[%get3A_758, %get3A_759] : memref<8192x256xf32, #tpu.memory_space<vmem>>, vector<1024x256xf32>
      %mul3A_761 = arith.mulf %get3A_760, %get3A_760 : vector<1024x256xf32>
      %reduce_sum3A_762 = arith.constant dense<0.000000e+00> : vector<1024xf32>
      %reduce_sum3A_763 = vector.multi_reduction <add>, %mul3A_761, %reduce_sum3A_762 [1] : vector<1024x256xf32> to vector<1024xf32>
      %swap3A_764 = arith.constant 0 : index
      %swap3A_765 = arith.constant 1024 : index
      %swap3A_766 = vector.load %arg5[%swap3A_764, %swap3A_765] : memref<1x8192xf32, #tpu.memory_space<vmem>>, vector<1x1024xf32>
      %swap3A_767 = vector.shape_cast %swap3A_766 : vector<1x1024xf32> to vector<1024xf32>
      %swap3A_768 = vector.shape_cast %reduce_sum3A_763 : vector<1024xf32> to vector<1x1024xf32>
      tpu.vector_store %arg5[%swap3A_764, %swap3A_765], %swap3A_768 {strides = array<i32>} : memref<1x8192xf32, #tpu.memory_space<vmem>>, vector<1x1024xf32>,
      %get3A_769 = arith.constant 2048 : index
      %get3A_770 = arith.constant 0 : index
      %get3A_771 = vector.load %arg2[%get3A_769, %get3A_770] : memref<8192x256xf32, #tpu.memory_space<vmem>>, vector<1024x256xf32>
      %mul3A_772 = arith.mulf %get3A_771, %get3A_771 : vector<1024x256xf32>
      %reduce_sum3A_773 = arith.constant dense<0.000000e+00> : vector<1024xf32>
      %reduce_sum3A_774 = vector.multi_reduction <add>, %mul3A_772, %reduce_sum3A_773 [1] : vector<1024x256xf32> to vector<1024xf32>
      %swap3A_775 = arith.constant 0 : index
      %swap3A_776 = arith.constant 2048 : index
      %swap3A_777 = vector.load %arg5[%swap3A_775, %swap3A_776] : memref<1x8192xf32, #tpu.memory_space<vmem>>, vector<1x1024xf32>
      %swap3A_778 = vector.shape_cast %swap3A_777 : vector<1x1024xf32> to vector<1024xf32>
      %swap3A_779 = vector.shape_cast %reduce_sum3A_774 : vector<1024xf32> to vector<1x1024xf32>
      tpu.vector_store %arg5[%swap3A_775, %swap3A_776], %swap3A_779 {strides = array<i32>} : memref<1x8192xf32, #tpu.memory_space<vmem>>, vector<1x1024xf32>,
      %get3A_780 = arith.constant 3072 : index
      %get3A_781 = arith.constant 0 : index
      %get3A_782 = vector.load %arg2[%get3A_780, %get3A_781] : memref<8192x256xf32, #tpu.memory_space<vmem>>, vector<1024x256xf32>
      %mul3A_783 = arith.mulf %get3A_782, %get3A_782 : vector<1024x256xf32>
      %reduce_sum3A_784 = arith.constant dense<0.000000e+00> : vector<1024xf32>
      %reduce_sum3A_785 = vector.multi_reduction <add>, %mul3A_783, %reduce_sum3A_784 [1] : vector<1024x256xf32> to vector<1024xf32>
      %swap3A_786 = arith.constant 0 : index
      %swap3A_787 = arith.constant 3072 : index
      %swap3A_788 = vector.load %arg5[%swap3A_786, %swap3A_787] : memref<1x8192xf32, #tpu.memory_space<vmem>>, vector<1x1024xf32>
      %swap3A_789 = vector.shape_cast %swap3A_788 : vector<1x1024xf32> to vector<1024xf32>
      %swap3A_790 = vector.shape_cast %reduce_sum3A_785 : vector<1024xf32> to vector<1x1024xf32>
      tpu.vector_store %arg5[%swap3A_786, %swap3A_787], %swap3A_790 {strides = array<i32>} : memref<1x8192xf32, #tpu.memory_space<vmem>>, vector<1x1024xf32>,
      %get3A_791 = arith.constant 4096 : index
      %get3A_792 = arith.constant 0 : index
      %get3A_793 = vector.load %arg2[%get3A_791, %get3A_792] : memref<8192x256xf32, #tpu.memory_space<vmem>>, vector<1024x256xf32>
      %mul3A_794 = arith.mulf %get3A_793, %get3A_793 : vector<1024x256xf32>
      %reduce_sum3A_795 = arith.constant dense<0.000000e+00> : vector<1024xf32>
      %reduce_sum3A_796 = vector.multi_reduction <add>, %mul3A_794, %reduce_sum3A_795 [1] : vector<1024x256xf32> to vector<1024xf32>
      %swap3A_797 = arith.constant 0 : index
      %swap3A_798 = arith.constant 4096 : index
      %swap3A_799 = vector.load %arg5[%swap3A_797, %swap3A_798] : memref<1x8192xf32, #tpu.memory_space<vmem>>, vector<1x1024xf32>
      %swap3A_800 = vector.shape_cast %swap3A_799 : vector<1x1024xf32> to vector<1024xf32>
      %swap3A_801 = vector.shape_cast %reduce_sum3A_796 : vector<1024xf32> to vector<1x1024xf32>
      tpu.vector_store %arg5[%swap3A_797, %swap3A_798], %swap3A_801 {strides = array<i32>} : memref<1x8192xf32, #tpu.memory_space<vmem>>, vector<1x1024xf32>,
      %get3A_802 = arith.constant 5120 : index
      %get3A_803 = arith.constant 0 : index
      %get3A_804 = vector.load %arg2[%get3A_802, %get3A_803] : memref<8192x256xf32, #tpu.memory_space<vmem>>, vector<1024x256xf32>
      %mul3A_805 = arith.mulf %get3A_804, %get3A_804 : vector<1024x256xf32>
      %reduce_sum3A_806 = arith.constant dense<0.000000e+00> : vector<1024xf32>
      %reduce_sum3A_807 = vector.multi_reduction <add>, %mul3A_805, %reduce_sum3A_806 [1] : vector<1024x256xf32> to vector<1024xf32>
      %swap3A_808 = arith.constant 0 : index
      %swap3A_809 = arith.constant 5120 : index
      %swap3A_810 = vector.load %arg5[%swap3A_808, %swap3A_809] : memref<1x8192xf32, #tpu.memory_space<vmem>>, vector<1x1024xf32>
      %swap3A_811 = vector.shape_cast %swap3A_810 : vector<1x1024xf32> to vector<1024xf32>
      %swap3A_812 = vector.shape_cast %reduce_sum3A_807 : vector<1024xf32> to vector<1x1024xf32>
      tpu.vector_store %arg5[%swap3A_808, %swap3A_809], %swap3A_812 {strides = array<i32>} : memref<1x8192xf32, #tpu.memory_space<vmem>>, vector<1x1024xf32>,
      %get3A_813 = arith.constant 6144 : index
      %get3A_814 = arith.constant 0 : index
      %get3A_815 = vector.load %arg2[%get3A_813, %get3A_814] : memref<8192x256xf32, #tpu.memory_space<vmem>>, vector<1024x256xf32>
      %mul3A_816 = arith.mulf %get3A_815, %get3A_815 : vector<1024x256xf32>
      %reduce_sum3A_817 = arith.constant dense<0.000000e+00> : vector<1024xf32>
      %reduce_sum3A_818 = vector.multi_reduction <add>, %mul3A_816, %reduce_sum3A_817 [1] : vector<1024x256xf32> to vector<1024xf32>
      %swap3A_819 = arith.constant 0 : index
      %swap3A_820 = arith.constant 6144 : index
      %swap3A_821 = vector.load %arg5[%swap3A_819, %swap3A_820] : memref<1x8192xf32, #tpu.memory_space<vmem>>, vector<1x1024xf32>
      %swap3A_822 = vector.shape_cast %swap3A_821 : vector<1x1024xf32> to vector<1024xf32>
      %swap3A_823 = vector.shape_cast %reduce_sum3A_818 : vector<1024xf32> to vector<1x1024xf32>
      tpu.vector_store %arg5[%swap3A_819, %swap3A_820], %swap3A_823 {strides = array<i32>} : memref<1x8192xf32, #tpu.memory_space<vmem>>, vector<1x1024xf32>,
      %get3A_824 = arith.constant 7168 : index
      %get3A_825 = arith.constant 0 : index
      %get3A_826 = vector.load %arg2[%get3A_824, %get3A_825] : memref<8192x256xf32, #tpu.memory_space<vmem>>, vector<1024x256xf32>
      %mul3A_827 = arith.mulf %get3A_826, %get3A_826 : vector<1024x256xf32>
      %reduce_sum3A_828 = arith.constant dense<0.000000e+00> : vector<1024xf32>
      %reduce_sum3A_829 = vector.multi_reduction <add>, %mul3A_827, %reduce_sum3A_828 [1] : vector<1024x256xf32> to vector<1024xf32>
      %swap3A_830 = arith.constant 0 : index
      %swap3A_831 = arith.constant 7168 : index
      %swap3A_832 = vector.load %arg5[%swap3A_830, %swap3A_831] : memref<1x8192xf32, #tpu.memory_space<vmem>>, vector<1x1024xf32>
      %swap3A_833 = vector.shape_cast %swap3A_832 : vector<1x1024xf32> to vector<1024xf32>
      %swap3A_834 = vector.shape_cast %reduce_sum3A_829 : vector<1024xf32> to vector<1x1024xf32>
      tpu.vector_store %arg5[%swap3A_830, %swap3A_831], %swap3A_834 {strides = array<i32>} : memref<1x8192xf32, #tpu.memory_space<vmem>>, vector<1x1024xf32>,
      %iota3A = tpu.iota {dimensions = array<i32: 1>} : vector<1x8192xi32>
      %iota3A_835 = vector.shape_cast %iota3A : vector<1x8192xi32> to vector<8192xi32>
      %swap3A_836 = arith.constant 0 : index
      %swap3A_837 = arith.constant 0 : index
      %swap3A_838 = vector.load %arg6[%swap3A_836, %swap3A_837] : memref<1x8192xi32, #tpu.memory_space<vmem>>, vector<1x8192xi32>
      %swap3A_839 = vector.shape_cast %swap3A_838 : vector<1x8192xi32> to vector<8192xi32>
      %swap3A_840 = vector.shape_cast %iota3A_835 : vector<8192xi32> to vector<1x8192xi32>
      tpu.vector_store %arg6[%swap3A_836, %swap3A_837], %swap3A_840 {strides = array<i32>} : memref<1x8192xi32, #tpu.memory_space<vmem>>, vector<1x8192xi32>,
    } else {
    }
    %get3A = arith.constant 0 : index
    %get3A_2 = arith.constant 0 : index
    %get3A_3 = vector.load %arg1[%get3A, %get3A_2] : memref<256x256xf32, #tpu.memory_space<vmem>>, vector<256x256xf32>
    %mul3A = arith.mulf %get3A_3, %get3A_3 : vector<256x256xf32>
    %reduce_sum3A = arith.constant dense<0.000000e+00> : vector<256xf32>
    %reduce_sum3A_4 = vector.multi_reduction <add>, %mul3A, %reduce_sum3A [1] : vector<256x256xf32> to vector<256xf32>
    %broadcast_in_dim3A = vector.shape_cast %reduce_sum3A_4 : vector<256xf32> to vector<256x1xf32>
    %add3A = arith.addf %get3A_3, %get3A_3 : vector<256x256xf32>
    %broadcast_in_dim3A_5 = vector.shape_cast %broadcast_in_dim3A : vector<256x1xf32> to vector<256x1xf32>
    %broadcast_in_dim3A_6 = vector.broadcast %broadcast_in_dim3A_5 : vector<256x1xf32> to vector<256x1024xf32>
    %swap3A = arith.constant 0 : index
    %swap3A_7 = arith.constant 0 : index
    %swap3A_8 = vector.load %arg7[%swap3A, %swap3A_7] : memref<256x1024xf32, #tpu.memory_space<vmem>>, vector<256x1024xf32>
    tpu.vector_store %arg7[%swap3A, %swap3A_7], %broadcast_in_dim3A_6 {strides = array<i32>} : memref<256x1024xf32, #tpu.memory_space<vmem>>, vector<256x1024xf32>,
    %broadcast_in_dim3A_9 = arith.constant 0x7F800000 : f32
    %broadcast_in_dim3A_10 = vector.broadcast %broadcast_in_dim3A_9 : f32 to vector<256x128xf32>
    %broadcast_in_dim3A_11 = arith.constant 8192 : i32
    %broadcast_in_dim3A_12 = vector.broadcast %broadcast_in_dim3A_11 : i32 to vector<256x128xi32>
    %get3A_13 = arith.constant 0 : index
    %get3A_14 = arith.constant 0 : index
    %get3A_15 = vector.load %arg2[%get3A_13, %get3A_14] : memref<8192x256xf32, #tpu.memory_space<vmem>>, vector<1024x256xf32>
    %dot_general3A = arith.constant dense<0.000000e+00> : vector<256x1024xf32>
    %dot_general3A_16 = tpu.matmul %add3A, %get3A_15, %dot_general3A {dimension_numbers = #tpu.dot_dimension_numbers<[1], [1], [0], [0], [0, 0, 1, 0], [], []>, transpose_lhs_hint = false} : vector<256x256xf32>, vector<1024x256xf32>, vector<256x1024xf32> -> vector<256x1024xf32>
    %get3A_17 = arith.constant 0 : index
    %get3A_18 = arith.constant 0 : index
    %get3A_19 = vector.load %arg5[%get3A_17, %get3A_18] : memref<1x8192xf32, #tpu.memory_space<vmem>>, vector<1x1024xf32>
    %get3A_20 = arith.constant 0 : index
    %get3A_21 = arith.constant 0 : index
    %get3A_22 = vector.load %arg7[%get3A_20, %get3A_21] : memref<256x1024xf32, #tpu.memory_space<vmem>>, vector<256x1024xf32>
    %sub3A = arith.subf %get3A_22, %dot_general3A_16 : vector<256x1024xf32>
    %add3A_23 = vector.broadcast %get3A_19 : vector<1x1024xf32> to vector<256x1024xf32>
    %add3A_24 = arith.addf %sub3A, %add3A_23 : vector<256x1024xf32>
    %max3A = arith.constant 0.000000e+00 : f32
    %max3A_25 = vector.broadcast %max3A : f32 to vector<256x1024xf32>
    %max3A_26 = arith.maximumf %add3A_24, %max3A_25 : vector<256x1024xf32>
    %sqrt3A = math.sqrt %max3A_26 : vector<256x1024xf32>
    %slice3A = vector.extract_strided_slice %sqrt3A {offsets = [0, 0], sizes = [256, 128], strides = [1, 1]} : vector<256x1024xf32> to vector<256x128xf32>
    %get3A_27 = arith.constant 0 : index
    %get3A_28 = arith.constant 0 : index
    %get3A_29 = vector.load %arg6[%get3A_27, %get3A_28] : memref<1x8192xi32, #tpu.memory_space<vmem>>, vector<1x128xi32>
    %broadcast_in_dim3A_30 = vector.shape_cast %get3A_29 : vector<1x128xi32> to vector<1x128xi32>
    %broadcast_in_dim3A_31 = vector.broadcast %broadcast_in_dim3A_30 : vector<1x128xi32> to vector<256x128xi32>
    %lt3A = arith.cmpf olt, %slice3A, %broadcast_in_dim3A_10 : vector<256x128xf32>
    %select_n3A = arith.select %lt3A, %slice3A, %broadcast_in_dim3A_10 : vector<256x128xi1>, vector<256x128xf32>
    %select_n3A_32 = arith.select %lt3A, %broadcast_in_dim3A_31, %broadcast_in_dim3A_12 : vector<256x128xi1>, vector<256x128xi32>
    %slice3A_33 = vector.extract_strided_slice %sqrt3A {offsets = [0, 128], sizes = [256, 128], strides = [1, 1]} : vector<256x1024xf32> to vector<256x128xf32>
    %get3A_34 = arith.constant 0 : index
    %get3A_35 = arith.constant 128 : index
    %get3A_36 = vector.load %arg6[%get3A_34, %get3A_35] : memref<1x8192xi32, #tpu.memory_space<vmem>>, vector<1x128xi32>
    %broadcast_in_dim3A_37 = vector.shape_cast %get3A_36 : vector<1x128xi32> to vector<1x128xi32>
    %broadcast_in_dim3A_38 = vector.broadcast %broadcast_in_dim3A_37 : vector<1x128xi32> to vector<256x128xi32>
    %lt3A_39 = arith.cmpf olt, %slice3A_33, %select_n3A : vector<256x128xf32>
    %select_n3A_40 = arith.select %lt3A_39, %slice3A_33, %select_n3A : vector<256x128xi1>, vector<256x128xf32>
    %select_n3A_41 = arith.select %lt3A_39, %broadcast_in_dim3A_38, %select_n3A_32 : vector<256x128xi1>, vector<256x128xi32>
    %slice3A_42 = vector.extract_strided_slice %sqrt3A {offsets = [0, 256], sizes = [256, 128], strides = [1, 1]} : vector<256x1024xf32> to vector<256x128xf32>
    %get3A_43 = arith.constant 0 : index
    %get3A_44 = arith.constant 256 : index
    %get3A_45 = vector.load %arg6[%get3A_43, %get3A_44] : memref<1x8192xi32, #tpu.memory_space<vmem>>, vector<1x128xi32>
    %broadcast_in_dim3A_46 = vector.shape_cast %get3A_45 : vector<1x128xi32> to vector<1x128xi32>
    %broadcast_in_dim3A_47 = vector.broadcast %broadcast_in_dim3A_46 : vector<1x128xi32> to vector<256x128xi32>
    %lt3A_48 = arith.cmpf olt, %slice3A_42, %select_n3A_40 : vector<256x128xf32>
    %select_n3A_49 = arith.select %lt3A_48, %slice3A_42, %select_n3A_40 : vector<256x128xi1>, vector<256x128xf32>
    %select_n3A_50 = arith.select %lt3A_48, %broadcast_in_dim3A_47, %select_n3A_41 : vector<256x128xi1>, vector<256x128xi32>
    %slice3A_51 = vector.extract_strided_slice %sqrt3A {offsets = [0, 384], sizes = [256, 128], strides = [1, 1]} : vector<256x1024xf32> to vector<256x128xf32>
    %get3A_52 = arith.constant 0 : index
    %get3A_53 = arith.constant 384 : index
    %get3A_54 = vector.load %arg6[%get3A_52, %get3A_53] : memref<1x8192xi32, #tpu.memory_space<vmem>>, vector<1x128xi32>
    %broadcast_in_dim3A_55 = vector.shape_cast %get3A_54 : vector<1x128xi32> to vector<1x128xi32>
    %broadcast_in_dim3A_56 = vector.broadcast %broadcast_in_dim3A_55 : vector<1x128xi32> to vector<256x128xi32>
    %lt3A_57 = arith.cmpf olt, %slice3A_51, %select_n3A_49 : vector<256x128xf32>
    %select_n3A_58 = arith.select %lt3A_57, %slice3A_51, %select_n3A_49 : vector<256x128xi1>, vector<256x128xf32>
    %select_n3A_59 = arith.select %lt3A_57, %broadcast_in_dim3A_56, %select_n3A_50 : vector<256x128xi1>, vector<256x128xi32>
    %slice3A_60 = vector.extract_strided_slice %sqrt3A {offsets = [0, 512], sizes = [256, 128], strides = [1, 1]} : vector<256x1024xf32> to vector<256x128xf32>
    %get3A_61 = arith.constant 0 : index
    %get3A_62 = arith.constant 512 : index
    %get3A_63 = vector.load %arg6[%get3A_61, %get3A_62] : memref<1x8192xi32, #tpu.memory_space<vmem>>, vector<1x128xi32>
    %broadcast_in_dim3A_64 = vector.shape_cast %get3A_63 : vector<1x128xi32> to vector<1x128xi32>
    %broadcast_in_dim3A_65 = vector.broadcast %broadcast_in_dim3A_64 : vector<1x128xi32> to vector<256x128xi32>
    %lt3A_66 = arith.cmpf olt, %slice3A_60, %select_n3A_58 : vector<256x128xf32>
    %select_n3A_67 = arith.select %lt3A_66, %slice3A_60, %select_n3A_58 : vector<256x128xi1>, vector<256x128xf32>
    %select_n3A_68 = arith.select %lt3A_66, %broadcast_in_dim3A_65, %select_n3A_59 : vector<256x128xi1>, vector<256x128xi32>
    %slice3A_69 = vector.extract_strided_slice %sqrt3A {offsets = [0, 640], sizes = [256, 128], strides = [1, 1]} : vector<256x1024xf32> to vector<256x128xf32>
    %get3A_70 = arith.constant 0 : index
    %get3A_71 = arith.constant 640 : index
    %get3A_72 = vector.load %arg6[%get3A_70, %get3A_71] : memref<1x8192xi32, #tpu.memory_space<vmem>>, vector<1x128xi32>
    %broadcast_in_dim3A_73 = vector.shape_cast %get3A_72 : vector<1x128xi32> to vector<1x128xi32>
    %broadcast_in_dim3A_74 = vector.broadcast %broadcast_in_dim3A_73 : vector<1x128xi32> to vector<256x128xi32>
    %lt3A_75 = arith.cmpf olt, %slice3A_69, %select_n3A_67 : vector<256x128xf32>
    %select_n3A_76 = arith.select %lt3A_75, %slice3A_69, %select_n3A_67 : vector<256x128xi1>, vector<256x128xf32>
    %select_n3A_77 = arith.select %lt3A_75, %broadcast_in_dim3A_74, %select_n3A_68 : vector<256x128xi1>, vector<256x128xi32>
    %slice3A_78 = vector.extract_strided_slice %sqrt3A {offsets = [0, 768], sizes = [256, 128], strides = [1, 1]} : vector<256x1024xf32> to vector<256x128xf32>
    %get3A_79 = arith.constant 0 : index
    %get3A_80 = arith.constant 768 : index
    %get3A_81 = vector.load %arg6[%get3A_79, %get3A_80] : memref<1x8192xi32, #tpu.memory_space<vmem>>, vector<1x128xi32>
    %broadcast_in_dim3A_82 = vector.shape_cast %get3A_81 : vector<1x128xi32> to vector<1x128xi32>
    %broadcast_in_dim3A_83 = vector.broadcast %broadcast_in_dim3A_82 : vector<1x128xi32> to vector<256x128xi32>
    %lt3A_84 = arith.cmpf olt, %slice3A_78, %select_n3A_76 : vector<256x128xf32>
    %select_n3A_85 = arith.select %lt3A_84, %slice3A_78, %select_n3A_76 : vector<256x128xi1>, vector<256x128xf32>
    %select_n3A_86 = arith.select %lt3A_84, %broadcast_in_dim3A_83, %select_n3A_77 : vector<256x128xi1>, vector<256x128xi32>
    %slice3A_87 = vector.extract_strided_slice %sqrt3A {offsets = [0, 896], sizes = [256, 128], strides = [1, 1]} : vector<256x1024xf32> to vector<256x128xf32>
    %get3A_88 = arith.constant 0 : index
    %get3A_89 = arith.constant 896 : index
    %get3A_90 = vector.load %arg6[%get3A_88, %get3A_89] : memref<1x8192xi32, #tpu.memory_space<vmem>>, vector<1x128xi32>
    %broadcast_in_dim3A_91 = vector.shape_cast %get3A_90 : vector<1x128xi32> to vector<1x128xi32>
    %broadcast_in_dim3A_92 = vector.broadcast %broadcast_in_dim3A_91 : vector<1x128xi32> to vector<256x128xi32>
    %lt3A_93 = arith.cmpf olt, %slice3A_87, %select_n3A_85 : vector<256x128xf32>
    %select_n3A_94 = arith.select %lt3A_93, %slice3A_87, %select_n3A_85 : vector<256x128xi1>, vector<256x128xf32>
    %select_n3A_95 = arith.select %lt3A_93, %broadcast_in_dim3A_92, %select_n3A_86 : vector<256x128xi1>, vector<256x128xi32>
    %get3A_96 = arith.constant 1024 : index
    %get3A_97 = arith.constant 0 : index
    %get3A_98 = vector.load %arg2[%get3A_96, %get3A_97] : memref<8192x256xf32, #tpu.memory_space<vmem>>, vector<1024x256xf32>
    %dot_general3A_99 = arith.constant dense<0.000000e+00> : vector<256x1024xf32>
    %dot_general3A_100 = tpu.matmul %add3A, %get3A_98, %dot_general3A_99 {dimension_numbers = #tpu.dot_dimension_numbers<[1], [1], [0], [0], [0, 0, 1, 0], [], []>, transpose_lhs_hint = false} : vector<256x256xf32>, vector<1024x256xf32>, vector<256x1024xf32> -> vector<256x1024xf32>
    %get3A_101 = arith.constant 0 : index
    %get3A_102 = arith.constant 1024 : index
    %get3A_103 = vector.load %arg5[%get3A_101, %get3A_102] : memref<1x8192xf32, #tpu.memory_space<vmem>>, vector<1x1024xf32>
    %get3A_104 = arith.constant 0 : index
    %get3A_105 = arith.constant 0 : index
    %get3A_106 = vector.load %arg7[%get3A_104, %get3A_105] : memref<256x1024xf32, #tpu.memory_space<vmem>>, vector<256x1024xf32>
    %sub3A_107 = arith.subf %get3A_106, %dot_general3A_100 : vector<256x1024xf32>
    %add3A_108 = vector.broadcast %get3A_103 : vector<1x1024xf32> to vector<256x1024xf32>
    %add3A_109 = arith.addf %sub3A_107, %add3A_108 : vector<256x1024xf32>
    %max3A_110 = arith.constant 0.000000e+00 : f32
    %max3A_111 = vector.broadcast %max3A_110 : f32 to vector<256x1024xf32>
    %max3A_112 = arith.maximumf %add3A_109, %max3A_111 : vector<256x1024xf32>
    %sqrt3A_113 = math.sqrt %max3A_112 : vector<256x1024xf32>
    %slice3A_114 = vector.extract_strided_slice %sqrt3A_113 {offsets = [0, 0], sizes = [256, 128], strides = [1, 1]} : vector<256x1024xf32> to vector<256x128xf32>
    %get3A_115 = arith.constant 0 : index
    %get3A_116 = arith.constant 1024 : index
    %get3A_117 = vector.load %arg6[%get3A_115, %get3A_116] : memref<1x8192xi32, #tpu.memory_space<vmem>>, vector<1x128xi32>
    %broadcast_in_dim3A_118 = vector.shape_cast %get3A_117 : vector<1x128xi32> to vector<1x128xi32>
    %broadcast_in_dim3A_119 = vector.broadcast %broadcast_in_dim3A_118 : vector<1x128xi32> to vector<256x128xi32>
    %lt3A_120 = arith.cmpf olt, %slice3A_114, %select_n3A_94 : vector<256x128xf32>
    %select_n3A_121 = arith.select %lt3A_120, %slice3A_114, %select_n3A_94 : vector<256x128xi1>, vector<256x128xf32>
    %select_n3A_122 = arith.select %lt3A_120, %broadcast_in_dim3A_119, %select_n3A_95 : vector<256x128xi1>, vector<256x128xi32>
    %slice3A_123 = vector.extract_strided_slice %sqrt3A_113 {offsets = [0, 128], sizes = [256, 128], strides = [1, 1]} : vector<256x1024xf32> to vector<256x128xf32>
    %get3A_124 = arith.constant 0 : index
    %get3A_125 = arith.constant 1152 : index
    %get3A_126 = vector.load %arg6[%get3A_124, %get3A_125] : memref<1x8192xi32, #tpu.memory_space<vmem>>, vector<1x128xi32>
    %broadcast_in_dim3A_127 = vector.shape_cast %get3A_126 : vector<1x128xi32> to vector<1x128xi32>
    %broadcast_in_dim3A_128 = vector.broadcast %broadcast_in_dim3A_127 : vector<1x128xi32> to vector<256x128xi32>
    %lt3A_129 = arith.cmpf olt, %slice3A_123, %select_n3A_121 : vector<256x128xf32>
    %select_n3A_130 = arith.select %lt3A_129, %slice3A_123, %select_n3A_121 : vector<256x128xi1>, vector<256x128xf32>
    %select_n3A_131 = arith.select %lt3A_129, %broadcast_in_dim3A_128, %select_n3A_122 : vector<256x128xi1>, vector<256x128xi32>
    %slice3A_132 = vector.extract_strided_slice %sqrt3A_113 {offsets = [0, 256], sizes = [256, 128], strides = [1, 1]} : vector<256x1024xf32> to vector<256x128xf32>
    %get3A_133 = arith.constant 0 : index
    %get3A_134 = arith.constant 1280 : index
    %get3A_135 = vector.load %arg6[%get3A_133, %get3A_134] : memref<1x8192xi32, #tpu.memory_space<vmem>>, vector<1x128xi32>
    %broadcast_in_dim3A_136 = vector.shape_cast %get3A_135 : vector<1x128xi32> to vector<1x128xi32>
    %broadcast_in_dim3A_137 = vector.broadcast %broadcast_in_dim3A_136 : vector<1x128xi32> to vector<256x128xi32>
    %lt3A_138 = arith.cmpf olt, %slice3A_132, %select_n3A_130 : vector<256x128xf32>
    %select_n3A_139 = arith.select %lt3A_138, %slice3A_132, %select_n3A_130 : vector<256x128xi1>, vector<256x128xf32>
    %select_n3A_140 = arith.select %lt3A_138, %broadcast_in_dim3A_137, %select_n3A_131 : vector<256x128xi1>, vector<256x128xi32>
    %slice3A_141 = vector.extract_strided_slice %sqrt3A_113 {offsets = [0, 384], sizes = [256, 128], strides = [1, 1]} : vector<256x1024xf32> to vector<256x128xf32>
    %get3A_142 = arith.constant 0 : index
    %get3A_143 = arith.constant 1408 : index
    %get3A_144 = vector.load %arg6[%get3A_142, %get3A_143] : memref<1x8192xi32, #tpu.memory_space<vmem>>, vector<1x128xi32>
    %broadcast_in_dim3A_145 = vector.shape_cast %get3A_144 : vector<1x128xi32> to vector<1x128xi32>
    %broadcast_in_dim3A_146 = vector.broadcast %broadcast_in_dim3A_145 : vector<1x128xi32> to vector<256x128xi32>
    %lt3A_147 = arith.cmpf olt, %slice3A_141, %select_n3A_139 : vector<256x128xf32>
    %select_n3A_148 = arith.select %lt3A_147, %slice3A_141, %select_n3A_139 : vector<256x128xi1>, vector<256x128xf32>
    %select_n3A_149 = arith.select %lt3A_147, %broadcast_in_dim3A_146, %select_n3A_140 : vector<256x128xi1>, vector<256x128xi32>
    %slice3A_150 = vector.extract_strided_slice %sqrt3A_113 {offsets = [0, 512], sizes = [256, 128], strides = [1, 1]} : vector<256x1024xf32> to vector<256x128xf32>
    %get3A_151 = arith.constant 0 : index
    %get3A_152 = arith.constant 1536 : index
    %get3A_153 = vector.load %arg6[%get3A_151, %get3A_152] : memref<1x8192xi32, #tpu.memory_space<vmem>>, vector<1x128xi32>
    %broadcast_in_dim3A_154 = vector.shape_cast %get3A_153 : vector<1x128xi32> to vector<1x128xi32>
    %broadcast_in_dim3A_155 = vector.broadcast %broadcast_in_dim3A_154 : vector<1x128xi32> to vector<256x128xi32>
    %lt3A_156 = arith.cmpf olt, %slice3A_150, %select_n3A_148 : vector<256x128xf32>
    %select_n3A_157 = arith.select %lt3A_156, %slice3A_150, %select_n3A_148 : vector<256x128xi1>, vector<256x128xf32>
    %select_n3A_158 = arith.select %lt3A_156, %broadcast_in_dim3A_155, %select_n3A_149 : vector<256x128xi1>, vector<256x128xi32>
    %slice3A_159 = vector.extract_strided_slice %sqrt3A_113 {offsets = [0, 640], sizes = [256, 128], strides = [1, 1]} : vector<256x1024xf32> to vector<256x128xf32>
    %get3A_160 = arith.constant 0 : index
    %get3A_161 = arith.constant 1664 : index
    %get3A_162 = vector.load %arg6[%get3A_160, %get3A_161] : memref<1x8192xi32, #tpu.memory_space<vmem>>, vector<1x128xi32>
    %broadcast_in_dim3A_163 = vector.shape_cast %get3A_162 : vector<1x128xi32> to vector<1x128xi32>
    %broadcast_in_dim3A_164 = vector.broadcast %broadcast_in_dim3A_163 : vector<1x128xi32> to vector<256x128xi32>
    %lt3A_165 = arith.cmpf olt, %slice3A_159, %select_n3A_157 : vector<256x128xf32>
    %select_n3A_166 = arith.select %lt3A_165, %slice3A_159, %select_n3A_157 : vector<256x128xi1>, vector<256x128xf32>
    %select_n3A_167 = arith.select %lt3A_165, %broadcast_in_dim3A_164, %select_n3A_158 : vector<256x128xi1>, vector<256x128xi32>
    %slice3A_168 = vector.extract_strided_slice %sqrt3A_113 {offsets = [0, 768], sizes = [256, 128], strides = [1, 1]} : vector<256x1024xf32> to vector<256x128xf32>
    %get3A_169 = arith.constant 0 : index
    %get3A_170 = arith.constant 1792 : index
    %get3A_171 = vector.load %arg6[%get3A_169, %get3A_170] : memref<1x8192xi32, #tpu.memory_space<vmem>>, vector<1x128xi32>
    %broadcast_in_dim3A_172 = vector.shape_cast %get3A_171 : vector<1x128xi32> to vector<1x128xi32>
    %broadcast_in_dim3A_173 = vector.broadcast %broadcast_in_dim3A_172 : vector<1x128xi32> to vector<256x128xi32>
    %lt3A_174 = arith.cmpf olt, %slice3A_168, %select_n3A_166 : vector<256x128xf32>
    %select_n3A_175 = arith.select %lt3A_174, %slice3A_168, %select_n3A_166 : vector<256x128xi1>, vector<256x128xf32>
    %select_n3A_176 = arith.select %lt3A_174, %broadcast_in_dim3A_173, %select_n3A_167 : vector<256x128xi1>, vector<256x128xi32>
    %slice3A_177 = vector.extract_strided_slice %sqrt3A_113 {offsets = [0, 896], sizes = [256, 128], strides = [1, 1]} : vector<256x1024xf32> to vector<256x128xf32>
    %get3A_178 = arith.constant 0 : index
    %get3A_179 = arith.constant 1920 : index
    %get3A_180 = vector.load %arg6[%get3A_178, %get3A_179] : memref<1x8192xi32, #tpu.memory_space<vmem>>, vector<1x128xi32>
    %broadcast_in_dim3A_181 = vector.shape_cast %get3A_180 : vector<1x128xi32> to vector<1x128xi32>
    %broadcast_in_dim3A_182 = vector.broadcast %broadcast_in_dim3A_181 : vector<1x128xi32> to vector<256x128xi32>
    %lt3A_183 = arith.cmpf olt, %slice3A_177, %select_n3A_175 : vector<256x128xf32>
    %select_n3A_184 = arith.select %lt3A_183, %slice3A_177, %select_n3A_175 : vector<256x128xi1>, vector<256x128xf32>
    %select_n3A_185 = arith.select %lt3A_183, %broadcast_in_dim3A_182, %select_n3A_176 : vector<256x128xi1>, vector<256x128xi32>
    %get3A_186 = arith.constant 2048 : index
    %get3A_187 = arith.constant 0 : index
    %get3A_188 = vector.load %arg2[%get3A_186, %get3A_187] : memref<8192x256xf32, #tpu.memory_space<vmem>>, vector<1024x256xf32>
    %dot_general3A_189 = arith.constant dense<0.000000e+00> : vector<256x1024xf32>
    %dot_general3A_190 = tpu.matmul %add3A, %get3A_188, %dot_general3A_189 {dimension_numbers = #tpu.dot_dimension_numbers<[1], [1], [0], [0], [0, 0, 1, 0], [], []>, transpose_lhs_hint = false} : vector<256x256xf32>, vector<1024x256xf32>, vector<256x1024xf32> -> vector<256x1024xf32>
    %get3A_191 = arith.constant 0 : index
    %get3A_192 = arith.constant 2048 : index
    %get3A_193 = vector.load %arg5[%get3A_191, %get3A_192] : memref<1x8192xf32, #tpu.memory_space<vmem>>, vector<1x1024xf32>
    %get3A_194 = arith.constant 0 : index
    %get3A_195 = arith.constant 0 : index
    %get3A_196 = vector.load %arg7[%get3A_194, %get3A_195] : memref<256x1024xf32, #tpu.memory_space<vmem>>, vector<256x1024xf32>
    %sub3A_197 = arith.subf %get3A_196, %dot_general3A_190 : vector<256x1024xf32>
    %add3A_198 = vector.broadcast %get3A_193 : vector<1x1024xf32> to vector<256x1024xf32>
    %add3A_199 = arith.addf %sub3A_197, %add3A_198 : vector<256x1024xf32>
    %max3A_200 = arith.constant 0.000000e+00 : f32
    %max3A_201 = vector.broadcast %max3A_200 : f32 to vector<256x1024xf32>
    %max3A_202 = arith.maximumf %add3A_199, %max3A_201 : vector<256x1024xf32>
    %sqrt3A_203 = math.sqrt %max3A_202 : vector<256x1024xf32>
    %slice3A_204 = vector.extract_strided_slice %sqrt3A_203 {offsets = [0, 0], sizes = [256, 128], strides = [1, 1]} : vector<256x1024xf32> to vector<256x128xf32>
    %get3A_205 = arith.constant 0 : index
    %get3A_206 = arith.constant 2048 : index
    %get3A_207 = vector.load %arg6[%get3A_205, %get3A_206] : memref<1x8192xi32, #tpu.memory_space<vmem>>, vector<1x128xi32>
    %broadcast_in_dim3A_208 = vector.shape_cast %get3A_207 : vector<1x128xi32> to vector<1x128xi32>
    %broadcast_in_dim3A_209 = vector.broadcast %broadcast_in_dim3A_208 : vector<1x128xi32> to vector<256x128xi32>
    %lt3A_210 = arith.cmpf olt, %slice3A_204, %select_n3A_184 : vector<256x128xf32>
    %select_n3A_211 = arith.select %lt3A_210, %slice3A_204, %select_n3A_184 : vector<256x128xi1>, vector<256x128xf32>
    %select_n3A_212 = arith.select %lt3A_210, %broadcast_in_dim3A_209, %select_n3A_185 : vector<256x128xi1>, vector<256x128xi32>
    %slice3A_213 = vector.extract_strided_slice %sqrt3A_203 {offsets = [0, 128], sizes = [256, 128], strides = [1, 1]} : vector<256x1024xf32> to vector<256x128xf32>
    %get3A_214 = arith.constant 0 : index
    %get3A_215 = arith.constant 2176 : index
    %get3A_216 = vector.load %arg6[%get3A_214, %get3A_215] : memref<1x8192xi32, #tpu.memory_space<vmem>>, vector<1x128xi32>
    %broadcast_in_dim3A_217 = vector.shape_cast %get3A_216 : vector<1x128xi32> to vector<1x128xi32>
    %broadcast_in_dim3A_218 = vector.broadcast %broadcast_in_dim3A_217 : vector<1x128xi32> to vector<256x128xi32>
    %lt3A_219 = arith.cmpf olt, %slice3A_213, %select_n3A_211 : vector<256x128xf32>
    %select_n3A_220 = arith.select %lt3A_219, %slice3A_213, %select_n3A_211 : vector<256x128xi1>, vector<256x128xf32>
    %select_n3A_221 = arith.select %lt3A_219, %broadcast_in_dim3A_218, %select_n3A_212 : vector<256x128xi1>, vector<256x128xi32>
    %slice3A_222 = vector.extract_strided_slice %sqrt3A_203 {offsets = [0, 256], sizes = [256, 128], strides = [1, 1]} : vector<256x1024xf32> to vector<256x128xf32>
    %get3A_223 = arith.constant 0 : index
    %get3A_224 = arith.constant 2304 : index
    %get3A_225 = vector.load %arg6[%get3A_223, %get3A_224] : memref<1x8192xi32, #tpu.memory_space<vmem>>, vector<1x128xi32>
    %broadcast_in_dim3A_226 = vector.shape_cast %get3A_225 : vector<1x128xi32> to vector<1x128xi32>
    %broadcast_in_dim3A_227 = vector.broadcast %broadcast_in_dim3A_226 : vector<1x128xi32> to vector<256x128xi32>
    %lt3A_228 = arith.cmpf olt, %slice3A_222, %select_n3A_220 : vector<256x128xf32>
    %select_n3A_229 = arith.select %lt3A_228, %slice3A_222, %select_n3A_220 : vector<256x128xi1>, vector<256x128xf32>
    %select_n3A_230 = arith.select %lt3A_228, %broadcast_in_dim3A_227, %select_n3A_221 : vector<256x128xi1>, vector<256x128xi32>
    %slice3A_231 = vector.extract_strided_slice %sqrt3A_203 {offsets = [0, 384], sizes = [256, 128], strides = [1, 1]} : vector<256x1024xf32> to vector<256x128xf32>
    %get3A_232 = arith.constant 0 : index
    %get3A_233 = arith.constant 2432 : index
    %get3A_234 = vector.load %arg6[%get3A_232, %get3A_233] : memref<1x8192xi32, #tpu.memory_space<vmem>>, vector<1x128xi32>
    %broadcast_in_dim3A_235 = vector.shape_cast %get3A_234 : vector<1x128xi32> to vector<1x128xi32>
    %broadcast_in_dim3A_236 = vector.broadcast %broadcast_in_dim3A_235 : vector<1x128xi32> to vector<256x128xi32>
    %lt3A_237 = arith.cmpf olt, %slice3A_231, %select_n3A_229 : vector<256x128xf32>
    %select_n3A_238 = arith.select %lt3A_237, %slice3A_231, %select_n3A_229 : vector<256x128xi1>, vector<256x128xf32>
    %select_n3A_239 = arith.select %lt3A_237, %broadcast_in_dim3A_236, %select_n3A_230 : vector<256x128xi1>, vector<256x128xi32>
    %slice3A_240 = vector.extract_strided_slice %sqrt3A_203 {offsets = [0, 512], sizes = [256, 128], strides = [1, 1]} : vector<256x1024xf32> to vector<256x128xf32>
    %get3A_241 = arith.constant 0 : index
    %get3A_242 = arith.constant 2560 : index
    %get3A_243 = vector.load %arg6[%get3A_241, %get3A_242] : memref<1x8192xi32, #tpu.memory_space<vmem>>, vector<1x128xi32>
    %broadcast_in_dim3A_244 = vector.shape_cast %get3A_243 : vector<1x128xi32> to vector<1x128xi32>
    %broadcast_in_dim3A_245 = vector.broadcast %broadcast_in_dim3A_244 : vector<1x128xi32> to vector<256x128xi32>
    %lt3A_246 = arith.cmpf olt, %slice3A_240, %select_n3A_238 : vector<256x128xf32>
    %select_n3A_247 = arith.select %lt3A_246, %slice3A_240, %select_n3A_238 : vector<256x128xi1>, vector<256x128xf32>
    %select_n3A_248 = arith.select %lt3A_246, %broadcast_in_dim3A_245, %select_n3A_239 : vector<256x128xi1>, vector<256x128xi32>
    %slice3A_249 = vector.extract_strided_slice %sqrt3A_203 {offsets = [0, 640], sizes = [256, 128], strides = [1, 1]} : vector<256x1024xf32> to vector<256x128xf32>
    %get3A_250 = arith.constant 0 : index
    %get3A_251 = arith.constant 2688 : index
    %get3A_252 = vector.load %arg6[%get3A_250, %get3A_251] : memref<1x8192xi32, #tpu.memory_space<vmem>>, vector<1x128xi32>
    %broadcast_in_dim3A_253 = vector.shape_cast %get3A_252 : vector<1x128xi32> to vector<1x128xi32>
    %broadcast_in_dim3A_254 = vector.broadcast %broadcast_in_dim3A_253 : vector<1x128xi32> to vector<256x128xi32>
    %lt3A_255 = arith.cmpf olt, %slice3A_249, %select_n3A_247 : vector<256x128xf32>
    %select_n3A_256 = arith.select %lt3A_255, %slice3A_249, %select_n3A_247 : vector<256x128xi1>, vector<256x128xf32>
    %select_n3A_257 = arith.select %lt3A_255, %broadcast_in_dim3A_254, %select_n3A_248 : vector<256x128xi1>, vector<256x128xi32>
    %slice3A_258 = vector.extract_strided_slice %sqrt3A_203 {offsets = [0, 768], sizes = [256, 128], strides = [1, 1]} : vector<256x1024xf32> to vector<256x128xf32>
    %get3A_259 = arith.constant 0 : index
    %get3A_260 = arith.constant 2816 : index
    %get3A_261 = vector.load %arg6[%get3A_259, %get3A_260] : memref<1x8192xi32, #tpu.memory_space<vmem>>, vector<1x128xi32>
    %broadcast_in_dim3A_262 = vector.shape_cast %get3A_261 : vector<1x128xi32> to vector<1x128xi32>
    %broadcast_in_dim3A_263 = vector.broadcast %broadcast_in_dim3A_262 : vector<1x128xi32> to vector<256x128xi32>
    %lt3A_264 = arith.cmpf olt, %slice3A_258, %select_n3A_256 : vector<256x128xf32>
    %select_n3A_265 = arith.select %lt3A_264, %slice3A_258, %select_n3A_256 : vector<256x128xi1>, vector<256x128xf32>
    %select_n3A_266 = arith.select %lt3A_264, %broadcast_in_dim3A_263, %select_n3A_257 : vector<256x128xi1>, vector<256x128xi32>
    %slice3A_267 = vector.extract_strided_slice %sqrt3A_203 {offsets = [0, 896], sizes = [256, 128], strides = [1, 1]} : vector<256x1024xf32> to vector<256x128xf32>
    %get3A_268 = arith.constant 0 : index
    %get3A_269 = arith.constant 2944 : index
    %get3A_270 = vector.load %arg6[%get3A_268, %get3A_269] : memref<1x8192xi32, #tpu.memory_space<vmem>>, vector<1x128xi32>
    %broadcast_in_dim3A_271 = vector.shape_cast %get3A_270 : vector<1x128xi32> to vector<1x128xi32>
    %broadcast_in_dim3A_272 = vector.broadcast %broadcast_in_dim3A_271 : vector<1x128xi32> to vector<256x128xi32>
    %lt3A_273 = arith.cmpf olt, %slice3A_267, %select_n3A_265 : vector<256x128xf32>
    %select_n3A_274 = arith.select %lt3A_273, %slice3A_267, %select_n3A_265 : vector<256x128xi1>, vector<256x128xf32>
    %select_n3A_275 = arith.select %lt3A_273, %broadcast_in_dim3A_272, %select_n3A_266 : vector<256x128xi1>, vector<256x128xi32>
    %get3A_276 = arith.constant 3072 : index
    %get3A_277 = arith.constant 0 : index
    %get3A_278 = vector.load %arg2[%get3A_276, %get3A_277] : memref<8192x256xf32, #tpu.memory_space<vmem>>, vector<1024x256xf32>
    %dot_general3A_279 = arith.constant dense<0.000000e+00> : vector<256x1024xf32>
    %dot_general3A_280 = tpu.matmul %add3A, %get3A_278, %dot_general3A_279 {dimension_numbers = #tpu.dot_dimension_numbers<[1], [1], [0], [0], [0, 0, 1, 0], [], []>, transpose_lhs_hint = false} : vector<256x256xf32>, vector<1024x256xf32>, vector<256x1024xf32> -> vector<256x1024xf32>
    %get3A_281 = arith.constant 0 : index
    %get3A_282 = arith.constant 3072 : index
    %get3A_283 = vector.load %arg5[%get3A_281, %get3A_282] : memref<1x8192xf32, #tpu.memory_space<vmem>>, vector<1x1024xf32>
    %get3A_284 = arith.constant 0 : index
    %get3A_285 = arith.constant 0 : index
    %get3A_286 = vector.load %arg7[%get3A_284, %get3A_285] : memref<256x1024xf32, #tpu.memory_space<vmem>>, vector<256x1024xf32>
    %sub3A_287 = arith.subf %get3A_286, %dot_general3A_280 : vector<256x1024xf32>
    %add3A_288 = vector.broadcast %get3A_283 : vector<1x1024xf32> to vector<256x1024xf32>
    %add3A_289 = arith.addf %sub3A_287, %add3A_288 : vector<256x1024xf32>
    %max3A_290 = arith.constant 0.000000e+00 : f32
    %max3A_291 = vector.broadcast %max3A_290 : f32 to vector<256x1024xf32>
    %max3A_292 = arith.maximumf %add3A_289, %max3A_291 : vector<256x1024xf32>
    %sqrt3A_293 = math.sqrt %max3A_292 : vector<256x1024xf32>
    %slice3A_294 = vector.extract_strided_slice %sqrt3A_293 {offsets = [0, 0], sizes = [256, 128], strides = [1, 1]} : vector<256x1024xf32> to vector<256x128xf32>
    %get3A_295 = arith.constant 0 : index
    %get3A_296 = arith.constant 3072 : index
    %get3A_297 = vector.load %arg6[%get3A_295, %get3A_296] : memref<1x8192xi32, #tpu.memory_space<vmem>>, vector<1x128xi32>
    %broadcast_in_dim3A_298 = vector.shape_cast %get3A_297 : vector<1x128xi32> to vector<1x128xi32>
    %broadcast_in_dim3A_299 = vector.broadcast %broadcast_in_dim3A_298 : vector<1x128xi32> to vector<256x128xi32>
    %lt3A_300 = arith.cmpf olt, %slice3A_294, %select_n3A_274 : vector<256x128xf32>
    %select_n3A_301 = arith.select %lt3A_300, %slice3A_294, %select_n3A_274 : vector<256x128xi1>, vector<256x128xf32>
    %select_n3A_302 = arith.select %lt3A_300, %broadcast_in_dim3A_299, %select_n3A_275 : vector<256x128xi1>, vector<256x128xi32>
    %slice3A_303 = vector.extract_strided_slice %sqrt3A_293 {offsets = [0, 128], sizes = [256, 128], strides = [1, 1]} : vector<256x1024xf32> to vector<256x128xf32>
    %get3A_304 = arith.constant 0 : index
    %get3A_305 = arith.constant 3200 : index
    %get3A_306 = vector.load %arg6[%get3A_304, %get3A_305] : memref<1x8192xi32, #tpu.memory_space<vmem>>, vector<1x128xi32>
    %broadcast_in_dim3A_307 = vector.shape_cast %get3A_306 : vector<1x128xi32> to vector<1x128xi32>
    %broadcast_in_dim3A_308 = vector.broadcast %broadcast_in_dim3A_307 : vector<1x128xi32> to vector<256x128xi32>
    %lt3A_309 = arith.cmpf olt, %slice3A_303, %select_n3A_301 : vector<256x128xf32>
    %select_n3A_310 = arith.select %lt3A_309, %slice3A_303, %select_n3A_301 : vector<256x128xi1>, vector<256x128xf32>
    %select_n3A_311 = arith.select %lt3A_309, %broadcast_in_dim3A_308, %select_n3A_302 : vector<256x128xi1>, vector<256x128xi32>
    %slice3A_312 = vector.extract_strided_slice %sqrt3A_293 {offsets = [0, 256], sizes = [256, 128], strides = [1, 1]} : vector<256x1024xf32> to vector<256x128xf32>
    %get3A_313 = arith.constant 0 : index
    %get3A_314 = arith.constant 3328 : index
    %get3A_315 = vector.load %arg6[%get3A_313, %get3A_314] : memref<1x8192xi32, #tpu.memory_space<vmem>>, vector<1x128xi32>
    %broadcast_in_dim3A_316 = vector.shape_cast %get3A_315 : vector<1x128xi32> to vector<1x128xi32>
    %broadcast_in_dim3A_317 = vector.broadcast %broadcast_in_dim3A_316 : vector<1x128xi32> to vector<256x128xi32>
    %lt3A_318 = arith.cmpf olt, %slice3A_312, %select_n3A_310 : vector<256x128xf32>
    %select_n3A_319 = arith.select %lt3A_318, %slice3A_312, %select_n3A_310 : vector<256x128xi1>, vector<256x128xf32>
    %select_n3A_320 = arith.select %lt3A_318, %broadcast_in_dim3A_317, %select_n3A_311 : vector<256x128xi1>, vector<256x128xi32>
    %slice3A_321 = vector.extract_strided_slice %sqrt3A_293 {offsets = [0, 384], sizes = [256, 128], strides = [1, 1]} : vector<256x1024xf32> to vector<256x128xf32>
    %get3A_322 = arith.constant 0 : index
    %get3A_323 = arith.constant 3456 : index
    %get3A_324 = vector.load %arg6[%get3A_322, %get3A_323] : memref<1x8192xi32, #tpu.memory_space<vmem>>, vector<1x128xi32>
    %broadcast_in_dim3A_325 = vector.shape_cast %get3A_324 : vector<1x128xi32> to vector<1x128xi32>
    %broadcast_in_dim3A_326 = vector.broadcast %broadcast_in_dim3A_325 : vector<1x128xi32> to vector<256x128xi32>
    %lt3A_327 = arith.cmpf olt, %slice3A_321, %select_n3A_319 : vector<256x128xf32>
    %select_n3A_328 = arith.select %lt3A_327, %slice3A_321, %select_n3A_319 : vector<256x128xi1>, vector<256x128xf32>
    %select_n3A_329 = arith.select %lt3A_327, %broadcast_in_dim3A_326, %select_n3A_320 : vector<256x128xi1>, vector<256x128xi32>
    %slice3A_330 = vector.extract_strided_slice %sqrt3A_293 {offsets = [0, 512], sizes = [256, 128], strides = [1, 1]} : vector<256x1024xf32> to vector<256x128xf32>
    %get3A_331 = arith.constant 0 : index
    %get3A_332 = arith.constant 3584 : index
    %get3A_333 = vector.load %arg6[%get3A_331, %get3A_332] : memref<1x8192xi32, #tpu.memory_space<vmem>>, vector<1x128xi32>
    %broadcast_in_dim3A_334 = vector.shape_cast %get3A_333 : vector<1x128xi32> to vector<1x128xi32>
    %broadcast_in_dim3A_335 = vector.broadcast %broadcast_in_dim3A_334 : vector<1x128xi32> to vector<256x128xi32>
    %lt3A_336 = arith.cmpf olt, %slice3A_330, %select_n3A_328 : vector<256x128xf32>
    %select_n3A_337 = arith.select %lt3A_336, %slice3A_330, %select_n3A_328 : vector<256x128xi1>, vector<256x128xf32>
    %select_n3A_338 = arith.select %lt3A_336, %broadcast_in_dim3A_335, %select_n3A_329 : vector<256x128xi1>, vector<256x128xi32>
    %slice3A_339 = vector.extract_strided_slice %sqrt3A_293 {offsets = [0, 640], sizes = [256, 128], strides = [1, 1]} : vector<256x1024xf32> to vector<256x128xf32>
    %get3A_340 = arith.constant 0 : index
    %get3A_341 = arith.constant 3712 : index
    %get3A_342 = vector.load %arg6[%get3A_340, %get3A_341] : memref<1x8192xi32, #tpu.memory_space<vmem>>, vector<1x128xi32>
    %broadcast_in_dim3A_343 = vector.shape_cast %get3A_342 : vector<1x128xi32> to vector<1x128xi32>
    %broadcast_in_dim3A_344 = vector.broadcast %broadcast_in_dim3A_343 : vector<1x128xi32> to vector<256x128xi32>
    %lt3A_345 = arith.cmpf olt, %slice3A_339, %select_n3A_337 : vector<256x128xf32>
    %select_n3A_346 = arith.select %lt3A_345, %slice3A_339, %select_n3A_337 : vector<256x128xi1>, vector<256x128xf32>
    %select_n3A_347 = arith.select %lt3A_345, %broadcast_in_dim3A_344, %select_n3A_338 : vector<256x128xi1>, vector<256x128xi32>
    %slice3A_348 = vector.extract_strided_slice %sqrt3A_293 {offsets = [0, 768], sizes = [256, 128], strides = [1, 1]} : vector<256x1024xf32> to vector<256x128xf32>
    %get3A_349 = arith.constant 0 : index
    %get3A_350 = arith.constant 3840 : index
    %get3A_351 = vector.load %arg6[%get3A_349, %get3A_350] : memref<1x8192xi32, #tpu.memory_space<vmem>>, vector<1x128xi32>
    %broadcast_in_dim3A_352 = vector.shape_cast %get3A_351 : vector<1x128xi32> to vector<1x128xi32>
    %broadcast_in_dim3A_353 = vector.broadcast %broadcast_in_dim3A_352 : vector<1x128xi32> to vector<256x128xi32>
    %lt3A_354 = arith.cmpf olt, %slice3A_348, %select_n3A_346 : vector<256x128xf32>
    %select_n3A_355 = arith.select %lt3A_354, %slice3A_348, %select_n3A_346 : vector<256x128xi1>, vector<256x128xf32>
    %select_n3A_356 = arith.select %lt3A_354, %broadcast_in_dim3A_353, %select_n3A_347 : vector<256x128xi1>, vector<256x128xi32>
    %slice3A_357 = vector.extract_strided_slice %sqrt3A_293 {offsets = [0, 896], sizes = [256, 128], strides = [1, 1]} : vector<256x1024xf32> to vector<256x128xf32>
    %get3A_358 = arith.constant 0 : index
    %get3A_359 = arith.constant 3968 : index
    %get3A_360 = vector.load %arg6[%get3A_358, %get3A_359] : memref<1x8192xi32, #tpu.memory_space<vmem>>, vector<1x128xi32>
    %broadcast_in_dim3A_361 = vector.shape_cast %get3A_360 : vector<1x128xi32> to vector<1x128xi32>
    %broadcast_in_dim3A_362 = vector.broadcast %broadcast_in_dim3A_361 : vector<1x128xi32> to vector<256x128xi32>
    %lt3A_363 = arith.cmpf olt, %slice3A_357, %select_n3A_355 : vector<256x128xf32>
    %select_n3A_364 = arith.select %lt3A_363, %slice3A_357, %select_n3A_355 : vector<256x128xi1>, vector<256x128xf32>
    %select_n3A_365 = arith.select %lt3A_363, %broadcast_in_dim3A_362, %select_n3A_356 : vector<256x128xi1>, vector<256x128xi32>
    %get3A_366 = arith.constant 4096 : index
    %get3A_367 = arith.constant 0 : index
    %get3A_368 = vector.load %arg2[%get3A_366, %get3A_367] : memref<8192x256xf32, #tpu.memory_space<vmem>>, vector<1024x256xf32>
    %dot_general3A_369 = arith.constant dense<0.000000e+00> : vector<256x1024xf32>
    %dot_general3A_370 = tpu.matmul %add3A, %get3A_368, %dot_general3A_369 {dimension_numbers = #tpu.dot_dimension_numbers<[1], [1], [0], [0], [0, 0, 1, 0], [], []>, transpose_lhs_hint = false} : vector<256x256xf32>, vector<1024x256xf32>, vector<256x1024xf32> -> vector<256x1024xf32>
    %get3A_371 = arith.constant 0 : index
    %get3A_372 = arith.constant 4096 : index
    %get3A_373 = vector.load %arg5[%get3A_371, %get3A_372] : memref<1x8192xf32, #tpu.memory_space<vmem>>, vector<1x1024xf32>
    %get3A_374 = arith.constant 0 : index
    %get3A_375 = arith.constant 0 : index
    %get3A_376 = vector.load %arg7[%get3A_374, %get3A_375] : memref<256x1024xf32, #tpu.memory_space<vmem>>, vector<256x1024xf32>
    %sub3A_377 = arith.subf %get3A_376, %dot_general3A_370 : vector<256x1024xf32>
    %add3A_378 = vector.broadcast %get3A_373 : vector<1x1024xf32> to vector<256x1024xf32>
    %add3A_379 = arith.addf %sub3A_377, %add3A_378 : vector<256x1024xf32>
    %max3A_380 = arith.constant 0.000000e+00 : f32
    %max3A_381 = vector.broadcast %max3A_380 : f32 to vector<256x1024xf32>
    %max3A_382 = arith.maximumf %add3A_379, %max3A_381 : vector<256x1024xf32>
    %sqrt3A_383 = math.sqrt %max3A_382 : vector<256x1024xf32>
    %slice3A_384 = vector.extract_strided_slice %sqrt3A_383 {offsets = [0, 0], sizes = [256, 128], strides = [1, 1]} : vector<256x1024xf32> to vector<256x128xf32>
    %get3A_385 = arith.constant 0 : index
    %get3A_386 = arith.constant 4096 : index
    %get3A_387 = vector.load %arg6[%get3A_385, %get3A_386] : memref<1x8192xi32, #tpu.memory_space<vmem>>, vector<1x128xi32>
    %broadcast_in_dim3A_388 = vector.shape_cast %get3A_387 : vector<1x128xi32> to vector<1x128xi32>
    %broadcast_in_dim3A_389 = vector.broadcast %broadcast_in_dim3A_388 : vector<1x128xi32> to vector<256x128xi32>
    %lt3A_390 = arith.cmpf olt, %slice3A_384, %select_n3A_364 : vector<256x128xf32>
    %select_n3A_391 = arith.select %lt3A_390, %slice3A_384, %select_n3A_364 : vector<256x128xi1>, vector<256x128xf32>
    %select_n3A_392 = arith.select %lt3A_390, %broadcast_in_dim3A_389, %select_n3A_365 : vector<256x128xi1>, vector<256x128xi32>
    %slice3A_393 = vector.extract_strided_slice %sqrt3A_383 {offsets = [0, 128], sizes = [256, 128], strides = [1, 1]} : vector<256x1024xf32> to vector<256x128xf32>
    %get3A_394 = arith.constant 0 : index
    %get3A_395 = arith.constant 4224 : index
    %get3A_396 = vector.load %arg6[%get3A_394, %get3A_395] : memref<1x8192xi32, #tpu.memory_space<vmem>>, vector<1x128xi32>
    %broadcast_in_dim3A_397 = vector.shape_cast %get3A_396 : vector<1x128xi32> to vector<1x128xi32>
    %broadcast_in_dim3A_398 = vector.broadcast %broadcast_in_dim3A_397 : vector<1x128xi32> to vector<256x128xi32>
    %lt3A_399 = arith.cmpf olt, %slice3A_393, %select_n3A_391 : vector<256x128xf32>
    %select_n3A_400 = arith.select %lt3A_399, %slice3A_393, %select_n3A_391 : vector<256x128xi1>, vector<256x128xf32>
    %select_n3A_401 = arith.select %lt3A_399, %broadcast_in_dim3A_398, %select_n3A_392 : vector<256x128xi1>, vector<256x128xi32>
    %slice3A_402 = vector.extract_strided_slice %sqrt3A_383 {offsets = [0, 256], sizes = [256, 128], strides = [1, 1]} : vector<256x1024xf32> to vector<256x128xf32>
    %get3A_403 = arith.constant 0 : index
    %get3A_404 = arith.constant 4352 : index
    %get3A_405 = vector.load %arg6[%get3A_403, %get3A_404] : memref<1x8192xi32, #tpu.memory_space<vmem>>, vector<1x128xi32>
    %broadcast_in_dim3A_406 = vector.shape_cast %get3A_405 : vector<1x128xi32> to vector<1x128xi32>
    %broadcast_in_dim3A_407 = vector.broadcast %broadcast_in_dim3A_406 : vector<1x128xi32> to vector<256x128xi32>
    %lt3A_408 = arith.cmpf olt, %slice3A_402, %select_n3A_400 : vector<256x128xf32>
    %select_n3A_409 = arith.select %lt3A_408, %slice3A_402, %select_n3A_400 : vector<256x128xi1>, vector<256x128xf32>
    %select_n3A_410 = arith.select %lt3A_408, %broadcast_in_dim3A_407, %select_n3A_401 : vector<256x128xi1>, vector<256x128xi32>
    %slice3A_411 = vector.extract_strided_slice %sqrt3A_383 {offsets = [0, 384], sizes = [256, 128], strides = [1, 1]} : vector<256x1024xf32> to vector<256x128xf32>
    %get3A_412 = arith.constant 0 : index
    %get3A_413 = arith.constant 4480 : index
    %get3A_414 = vector.load %arg6[%get3A_412, %get3A_413] : memref<1x8192xi32, #tpu.memory_space<vmem>>, vector<1x128xi32>
    %broadcast_in_dim3A_415 = vector.shape_cast %get3A_414 : vector<1x128xi32> to vector<1x128xi32>
    %broadcast_in_dim3A_416 = vector.broadcast %broadcast_in_dim3A_415 : vector<1x128xi32> to vector<256x128xi32>
    %lt3A_417 = arith.cmpf olt, %slice3A_411, %select_n3A_409 : vector<256x128xf32>
    %select_n3A_418 = arith.select %lt3A_417, %slice3A_411, %select_n3A_409 : vector<256x128xi1>, vector<256x128xf32>
    %select_n3A_419 = arith.select %lt3A_417, %broadcast_in_dim3A_416, %select_n3A_410 : vector<256x128xi1>, vector<256x128xi32>
    %slice3A_420 = vector.extract_strided_slice %sqrt3A_383 {offsets = [0, 512], sizes = [256, 128], strides = [1, 1]} : vector<256x1024xf32> to vector<256x128xf32>
    %get3A_421 = arith.constant 0 : index
    %get3A_422 = arith.constant 4608 : index
    %get3A_423 = vector.load %arg6[%get3A_421, %get3A_422] : memref<1x8192xi32, #tpu.memory_space<vmem>>, vector<1x128xi32>
    %broadcast_in_dim3A_424 = vector.shape_cast %get3A_423 : vector<1x128xi32> to vector<1x128xi32>
    %broadcast_in_dim3A_425 = vector.broadcast %broadcast_in_dim3A_424 : vector<1x128xi32> to vector<256x128xi32>
    %lt3A_426 = arith.cmpf olt, %slice3A_420, %select_n3A_418 : vector<256x128xf32>
    %select_n3A_427 = arith.select %lt3A_426, %slice3A_420, %select_n3A_418 : vector<256x128xi1>, vector<256x128xf32>
    %select_n3A_428 = arith.select %lt3A_426, %broadcast_in_dim3A_425, %select_n3A_419 : vector<256x128xi1>, vector<256x128xi32>
    %slice3A_429 = vector.extract_strided_slice %sqrt3A_383 {offsets = [0, 640], sizes = [256, 128], strides = [1, 1]} : vector<256x1024xf32> to vector<256x128xf32>
    %get3A_430 = arith.constant 0 : index
    %get3A_431 = arith.constant 4736 : index
    %get3A_432 = vector.load %arg6[%get3A_430, %get3A_431] : memref<1x8192xi32, #tpu.memory_space<vmem>>, vector<1x128xi32>
    %broadcast_in_dim3A_433 = vector.shape_cast %get3A_432 : vector<1x128xi32> to vector<1x128xi32>
    %broadcast_in_dim3A_434 = vector.broadcast %broadcast_in_dim3A_433 : vector<1x128xi32> to vector<256x128xi32>
    %lt3A_435 = arith.cmpf olt, %slice3A_429, %select_n3A_427 : vector<256x128xf32>
    %select_n3A_436 = arith.select %lt3A_435, %slice3A_429, %select_n3A_427 : vector<256x128xi1>, vector<256x128xf32>
    %select_n3A_437 = arith.select %lt3A_435, %broadcast_in_dim3A_434, %select_n3A_428 : vector<256x128xi1>, vector<256x128xi32>
    %slice3A_438 = vector.extract_strided_slice %sqrt3A_383 {offsets = [0, 768], sizes = [256, 128], strides = [1, 1]} : vector<256x1024xf32> to vector<256x128xf32>
    %get3A_439 = arith.constant 0 : index
    %get3A_440 = arith.constant 4864 : index
    %get3A_441 = vector.load %arg6[%get3A_439, %get3A_440] : memref<1x8192xi32, #tpu.memory_space<vmem>>, vector<1x128xi32>
    %broadcast_in_dim3A_442 = vector.shape_cast %get3A_441 : vector<1x128xi32> to vector<1x128xi32>
    %broadcast_in_dim3A_443 = vector.broadcast %broadcast_in_dim3A_442 : vector<1x128xi32> to vector<256x128xi32>
    %lt3A_444 = arith.cmpf olt, %slice3A_438, %select_n3A_436 : vector<256x128xf32>
    %select_n3A_445 = arith.select %lt3A_444, %slice3A_438, %select_n3A_436 : vector<256x128xi1>, vector<256x128xf32>
    %select_n3A_446 = arith.select %lt3A_444, %broadcast_in_dim3A_443, %select_n3A_437 : vector<256x128xi1>, vector<256x128xi32>
    %slice3A_447 = vector.extract_strided_slice %sqrt3A_383 {offsets = [0, 896], sizes = [256, 128], strides = [1, 1]} : vector<256x1024xf32> to vector<256x128xf32>
    %get3A_448 = arith.constant 0 : index
    %get3A_449 = arith.constant 4992 : index
    %get3A_450 = vector.load %arg6[%get3A_448, %get3A_449] : memref<1x8192xi32, #tpu.memory_space<vmem>>, vector<1x128xi32>
    %broadcast_in_dim3A_451 = vector.shape_cast %get3A_450 : vector<1x128xi32> to vector<1x128xi32>
    %broadcast_in_dim3A_452 = vector.broadcast %broadcast_in_dim3A_451 : vector<1x128xi32> to vector<256x128xi32>
    %lt3A_453 = arith.cmpf olt, %slice3A_447, %select_n3A_445 : vector<256x128xf32>
    %select_n3A_454 = arith.select %lt3A_453, %slice3A_447, %select_n3A_445 : vector<256x128xi1>, vector<256x128xf32>
    %select_n3A_455 = arith.select %lt3A_453, %broadcast_in_dim3A_452, %select_n3A_446 : vector<256x128xi1>, vector<256x128xi32>
    %get3A_456 = arith.constant 5120 : index
    %get3A_457 = arith.constant 0 : index
    %get3A_458 = vector.load %arg2[%get3A_456, %get3A_457] : memref<8192x256xf32, #tpu.memory_space<vmem>>, vector<1024x256xf32>
    %dot_general3A_459 = arith.constant dense<0.000000e+00> : vector<256x1024xf32>
    %dot_general3A_460 = tpu.matmul %add3A, %get3A_458, %dot_general3A_459 {dimension_numbers = #tpu.dot_dimension_numbers<[1], [1], [0], [0], [0, 0, 1, 0], [], []>, transpose_lhs_hint = false} : vector<256x256xf32>, vector<1024x256xf32>, vector<256x1024xf32> -> vector<256x1024xf32>
    %get3A_461 = arith.constant 0 : index
    %get3A_462 = arith.constant 5120 : index
    %get3A_463 = vector.load %arg5[%get3A_461, %get3A_462] : memref<1x8192xf32, #tpu.memory_space<vmem>>, vector<1x1024xf32>
    %get3A_464 = arith.constant 0 : index
    %get3A_465 = arith.constant 0 : index
    %get3A_466 = vector.load %arg7[%get3A_464, %get3A_465] : memref<256x1024xf32, #tpu.memory_space<vmem>>, vector<256x1024xf32>
    %sub3A_467 = arith.subf %get3A_466, %dot_general3A_460 : vector<256x1024xf32>
    %add3A_468 = vector.broadcast %get3A_463 : vector<1x1024xf32> to vector<256x1024xf32>
    %add3A_469 = arith.addf %sub3A_467, %add3A_468 : vector<256x1024xf32>
    %max3A_470 = arith.constant 0.000000e+00 : f32
    %max3A_471 = vector.broadcast %max3A_470 : f32 to vector<256x1024xf32>
    %max3A_472 = arith.maximumf %add3A_469, %max3A_471 : vector<256x1024xf32>
    %sqrt3A_473 = math.sqrt %max3A_472 : vector<256x1024xf32>
    %slice3A_474 = vector.extract_strided_slice %sqrt3A_473 {offsets = [0, 0], sizes = [256, 128], strides = [1, 1]} : vector<256x1024xf32> to vector<256x128xf32>
    %get3A_475 = arith.constant 0 : index
    %get3A_476 = arith.constant 5120 : index
    %get3A_477 = vector.load %arg6[%get3A_475, %get3A_476] : memref<1x8192xi32, #tpu.memory_space<vmem>>, vector<1x128xi32>
    %broadcast_in_dim3A_478 = vector.shape_cast %get3A_477 : vector<1x128xi32> to vector<1x128xi32>
    %broadcast_in_dim3A_479 = vector.broadcast %broadcast_in_dim3A_478 : vector<1x128xi32> to vector<256x128xi32>
    %lt3A_480 = arith.cmpf olt, %slice3A_474, %select_n3A_454 : vector<256x128xf32>
    %select_n3A_481 = arith.select %lt3A_480, %slice3A_474, %select_n3A_454 : vector<256x128xi1>, vector<256x128xf32>
    %select_n3A_482 = arith.select %lt3A_480, %broadcast_in_dim3A_479, %select_n3A_455 : vector<256x128xi1>, vector<256x128xi32>
    %slice3A_483 = vector.extract_strided_slice %sqrt3A_473 {offsets = [0, 128], sizes = [256, 128], strides = [1, 1]} : vector<256x1024xf32> to vector<256x128xf32>
    %get3A_484 = arith.constant 0 : index
    %get3A_485 = arith.constant 5248 : index
    %get3A_486 = vector.load %arg6[%get3A_484, %get3A_485] : memref<1x8192xi32, #tpu.memory_space<vmem>>, vector<1x128xi32>
    %broadcast_in_dim3A_487 = vector.shape_cast %get3A_486 : vector<1x128xi32> to vector<1x128xi32>
    %broadcast_in_dim3A_488 = vector.broadcast %broadcast_in_dim3A_487 : vector<1x128xi32> to vector<256x128xi32>
    %lt3A_489 = arith.cmpf olt, %slice3A_483, %select_n3A_481 : vector<256x128xf32>
    %select_n3A_490 = arith.select %lt3A_489, %slice3A_483, %select_n3A_481 : vector<256x128xi1>, vector<256x128xf32>
    %select_n3A_491 = arith.select %lt3A_489, %broadcast_in_dim3A_488, %select_n3A_482 : vector<256x128xi1>, vector<256x128xi32>
    %slice3A_492 = vector.extract_strided_slice %sqrt3A_473 {offsets = [0, 256], sizes = [256, 128], strides = [1, 1]} : vector<256x1024xf32> to vector<256x128xf32>
    %get3A_493 = arith.constant 0 : index
    %get3A_494 = arith.constant 5376 : index
    %get3A_495 = vector.load %arg6[%get3A_493, %get3A_494] : memref<1x8192xi32, #tpu.memory_space<vmem>>, vector<1x128xi32>
    %broadcast_in_dim3A_496 = vector.shape_cast %get3A_495 : vector<1x128xi32> to vector<1x128xi32>
    %broadcast_in_dim3A_497 = vector.broadcast %broadcast_in_dim3A_496 : vector<1x128xi32> to vector<256x128xi32>
    %lt3A_498 = arith.cmpf olt, %slice3A_492, %select_n3A_490 : vector<256x128xf32>
    %select_n3A_499 = arith.select %lt3A_498, %slice3A_492, %select_n3A_490 : vector<256x128xi1>, vector<256x128xf32>
    %select_n3A_500 = arith.select %lt3A_498, %broadcast_in_dim3A_497, %select_n3A_491 : vector<256x128xi1>, vector<256x128xi32>
    %slice3A_501 = vector.extract_strided_slice %sqrt3A_473 {offsets = [0, 384], sizes = [256, 128], strides = [1, 1]} : vector<256x1024xf32> to vector<256x128xf32>
    %get3A_502 = arith.constant 0 : index
    %get3A_503 = arith.constant 5504 : index
    %get3A_504 = vector.load %arg6[%get3A_502, %get3A_503] : memref<1x8192xi32, #tpu.memory_space<vmem>>, vector<1x128xi32>
    %broadcast_in_dim3A_505 = vector.shape_cast %get3A_504 : vector<1x128xi32> to vector<1x128xi32>
    %broadcast_in_dim3A_506 = vector.broadcast %broadcast_in_dim3A_505 : vector<1x128xi32> to vector<256x128xi32>
    %lt3A_507 = arith.cmpf olt, %slice3A_501, %select_n3A_499 : vector<256x128xf32>
    %select_n3A_508 = arith.select %lt3A_507, %slice3A_501, %select_n3A_499 : vector<256x128xi1>, vector<256x128xf32>
    %select_n3A_509 = arith.select %lt3A_507, %broadcast_in_dim3A_506, %select_n3A_500 : vector<256x128xi1>, vector<256x128xi32>
    %slice3A_510 = vector.extract_strided_slice %sqrt3A_473 {offsets = [0, 512], sizes = [256, 128], strides = [1, 1]} : vector<256x1024xf32> to vector<256x128xf32>
    %get3A_511 = arith.constant 0 : index
    %get3A_512 = arith.constant 5632 : index
    %get3A_513 = vector.load %arg6[%get3A_511, %get3A_512] : memref<1x8192xi32, #tpu.memory_space<vmem>>, vector<1x128xi32>
    %broadcast_in_dim3A_514 = vector.shape_cast %get3A_513 : vector<1x128xi32> to vector<1x128xi32>
    %broadcast_in_dim3A_515 = vector.broadcast %broadcast_in_dim3A_514 : vector<1x128xi32> to vector<256x128xi32>
    %lt3A_516 = arith.cmpf olt, %slice3A_510, %select_n3A_508 : vector<256x128xf32>
    %select_n3A_517 = arith.select %lt3A_516, %slice3A_510, %select_n3A_508 : vector<256x128xi1>, vector<256x128xf32>
    %select_n3A_518 = arith.select %lt3A_516, %broadcast_in_dim3A_515, %select_n3A_509 : vector<256x128xi1>, vector<256x128xi32>
    %slice3A_519 = vector.extract_strided_slice %sqrt3A_473 {offsets = [0, 640], sizes = [256, 128], strides = [1, 1]} : vector<256x1024xf32> to vector<256x128xf32>
    %get3A_520 = arith.constant 0 : index
    %get3A_521 = arith.constant 5760 : index
    %get3A_522 = vector.load %arg6[%get3A_520, %get3A_521] : memref<1x8192xi32, #tpu.memory_space<vmem>>, vector<1x128xi32>
    %broadcast_in_dim3A_523 = vector.shape_cast %get3A_522 : vector<1x128xi32> to vector<1x128xi32>
    %broadcast_in_dim3A_524 = vector.broadcast %broadcast_in_dim3A_523 : vector<1x128xi32> to vector<256x128xi32>
    %lt3A_525 = arith.cmpf olt, %slice3A_519, %select_n3A_517 : vector<256x128xf32>
    %select_n3A_526 = arith.select %lt3A_525, %slice3A_519, %select_n3A_517 : vector<256x128xi1>, vector<256x128xf32>
    %select_n3A_527 = arith.select %lt3A_525, %broadcast_in_dim3A_524, %select_n3A_518 : vector<256x128xi1>, vector<256x128xi32>
    %slice3A_528 = vector.extract_strided_slice %sqrt3A_473 {offsets = [0, 768], sizes = [256, 128], strides = [1, 1]} : vector<256x1024xf32> to vector<256x128xf32>
    %get3A_529 = arith.constant 0 : index
    %get3A_530 = arith.constant 5888 : index
    %get3A_531 = vector.load %arg6[%get3A_529, %get3A_530] : memref<1x8192xi32, #tpu.memory_space<vmem>>, vector<1x128xi32>
    %broadcast_in_dim3A_532 = vector.shape_cast %get3A_531 : vector<1x128xi32> to vector<1x128xi32>
    %broadcast_in_dim3A_533 = vector.broadcast %broadcast_in_dim3A_532 : vector<1x128xi32> to vector<256x128xi32>
    %lt3A_534 = arith.cmpf olt, %slice3A_528, %select_n3A_526 : vector<256x128xf32>
    %select_n3A_535 = arith.select %lt3A_534, %slice3A_528, %select_n3A_526 : vector<256x128xi1>, vector<256x128xf32>
    %select_n3A_536 = arith.select %lt3A_534, %broadcast_in_dim3A_533, %select_n3A_527 : vector<256x128xi1>, vector<256x128xi32>
    %slice3A_537 = vector.extract_strided_slice %sqrt3A_473 {offsets = [0, 896], sizes = [256, 128], strides = [1, 1]} : vector<256x1024xf32> to vector<256x128xf32>
    %get3A_538 = arith.constant 0 : index
    %get3A_539 = arith.constant 6016 : index
    %get3A_540 = vector.load %arg6[%get3A_538, %get3A_539] : memref<1x8192xi32, #tpu.memory_space<vmem>>, vector<1x128xi32>
    %broadcast_in_dim3A_541 = vector.shape_cast %get3A_540 : vector<1x128xi32> to vector<1x128xi32>
    %broadcast_in_dim3A_542 = vector.broadcast %broadcast_in_dim3A_541 : vector<1x128xi32> to vector<256x128xi32>
    %lt3A_543 = arith.cmpf olt, %slice3A_537, %select_n3A_535 : vector<256x128xf32>
    %select_n3A_544 = arith.select %lt3A_543, %slice3A_537, %select_n3A_535 : vector<256x128xi1>, vector<256x128xf32>
    %select_n3A_545 = arith.select %lt3A_543, %broadcast_in_dim3A_542, %select_n3A_536 : vector<256x128xi1>, vector<256x128xi32>
    %get3A_546 = arith.constant 6144 : index
    %get3A_547 = arith.constant 0 : index
    %get3A_548 = vector.load %arg2[%get3A_546, %get3A_547] : memref<8192x256xf32, #tpu.memory_space<vmem>>, vector<1024x256xf32>
    %dot_general3A_549 = arith.constant dense<0.000000e+00> : vector<256x1024xf32>
    %dot_general3A_550 = tpu.matmul %add3A, %get3A_548, %dot_general3A_549 {dimension_numbers = #tpu.dot_dimension_numbers<[1], [1], [0], [0], [0, 0, 1, 0], [], []>, transpose_lhs_hint = false} : vector<256x256xf32>, vector<1024x256xf32>, vector<256x1024xf32> -> vector<256x1024xf32>
    %get3A_551 = arith.constant 0 : index
    %get3A_552 = arith.constant 6144 : index
    %get3A_553 = vector.load %arg5[%get3A_551, %get3A_552] : memref<1x8192xf32, #tpu.memory_space<vmem>>, vector<1x1024xf32>
    %get3A_554 = arith.constant 0 : index
    %get3A_555 = arith.constant 0 : index
    %get3A_556 = vector.load %arg7[%get3A_554, %get3A_555] : memref<256x1024xf32, #tpu.memory_space<vmem>>, vector<256x1024xf32>
    %sub3A_557 = arith.subf %get3A_556, %dot_general3A_550 : vector<256x1024xf32>
    %add3A_558 = vector.broadcast %get3A_553 : vector<1x1024xf32> to vector<256x1024xf32>
    %add3A_559 = arith.addf %sub3A_557, %add3A_558 : vector<256x1024xf32>
    %max3A_560 = arith.constant 0.000000e+00 : f32
    %max3A_561 = vector.broadcast %max3A_560 : f32 to vector<256x1024xf32>
    %max3A_562 = arith.maximumf %add3A_559, %max3A_561 : vector<256x1024xf32>
    %sqrt3A_563 = math.sqrt %max3A_562 : vector<256x1024xf32>
    %slice3A_564 = vector.extract_strided_slice %sqrt3A_563 {offsets = [0, 0], sizes = [256, 128], strides = [1, 1]} : vector<256x1024xf32> to vector<256x128xf32>
    %get3A_565 = arith.constant 0 : index
    %get3A_566 = arith.constant 6144 : index
    %get3A_567 = vector.load %arg6[%get3A_565, %get3A_566] : memref<1x8192xi32, #tpu.memory_space<vmem>>, vector<1x128xi32>
    %broadcast_in_dim3A_568 = vector.shape_cast %get3A_567 : vector<1x128xi32> to vector<1x128xi32>
    %broadcast_in_dim3A_569 = vector.broadcast %broadcast_in_dim3A_568 : vector<1x128xi32> to vector<256x128xi32>
    %lt3A_570 = arith.cmpf olt, %slice3A_564, %select_n3A_544 : vector<256x128xf32>
    %select_n3A_571 = arith.select %lt3A_570, %slice3A_564, %select_n3A_544 : vector<256x128xi1>, vector<256x128xf32>
    %select_n3A_572 = arith.select %lt3A_570, %broadcast_in_dim3A_569, %select_n3A_545 : vector<256x128xi1>, vector<256x128xi32>
    %slice3A_573 = vector.extract_strided_slice %sqrt3A_563 {offsets = [0, 128], sizes = [256, 128], strides = [1, 1]} : vector<256x1024xf32> to vector<256x128xf32>
    %get3A_574 = arith.constant 0 : index
    %get3A_575 = arith.constant 6272 : index
    %get3A_576 = vector.load %arg6[%get3A_574, %get3A_575] : memref<1x8192xi32, #tpu.memory_space<vmem>>, vector<1x128xi32>
    %broadcast_in_dim3A_577 = vector.shape_cast %get3A_576 : vector<1x128xi32> to vector<1x128xi32>
    %broadcast_in_dim3A_578 = vector.broadcast %broadcast_in_dim3A_577 : vector<1x128xi32> to vector<256x128xi32>
    %lt3A_579 = arith.cmpf olt, %slice3A_573, %select_n3A_571 : vector<256x128xf32>
    %select_n3A_580 = arith.select %lt3A_579, %slice3A_573, %select_n3A_571 : vector<256x128xi1>, vector<256x128xf32>
    %select_n3A_581 = arith.select %lt3A_579, %broadcast_in_dim3A_578, %select_n3A_572 : vector<256x128xi1>, vector<256x128xi32>
    %slice3A_582 = vector.extract_strided_slice %sqrt3A_563 {offsets = [0, 256], sizes = [256, 128], strides = [1, 1]} : vector<256x1024xf32> to vector<256x128xf32>
    %get3A_583 = arith.constant 0 : index
    %get3A_584 = arith.constant 6400 : index
    %get3A_585 = vector.load %arg6[%get3A_583, %get3A_584] : memref<1x8192xi32, #tpu.memory_space<vmem>>, vector<1x128xi32>
    %broadcast_in_dim3A_586 = vector.shape_cast %get3A_585 : vector<1x128xi32> to vector<1x128xi32>
    %broadcast_in_dim3A_587 = vector.broadcast %broadcast_in_dim3A_586 : vector<1x128xi32> to vector<256x128xi32>
    %lt3A_588 = arith.cmpf olt, %slice3A_582, %select_n3A_580 : vector<256x128xf32>
    %select_n3A_589 = arith.select %lt3A_588, %slice3A_582, %select_n3A_580 : vector<256x128xi1>, vector<256x128xf32>
    %select_n3A_590 = arith.select %lt3A_588, %broadcast_in_dim3A_587, %select_n3A_581 : vector<256x128xi1>, vector<256x128xi32>
    %slice3A_591 = vector.extract_strided_slice %sqrt3A_563 {offsets = [0, 384], sizes = [256, 128], strides = [1, 1]} : vector<256x1024xf32> to vector<256x128xf32>
    %get3A_592 = arith.constant 0 : index
    %get3A_593 = arith.constant 6528 : index
    %get3A_594 = vector.load %arg6[%get3A_592, %get3A_593] : memref<1x8192xi32, #tpu.memory_space<vmem>>, vector<1x128xi32>
    %broadcast_in_dim3A_595 = vector.shape_cast %get3A_594 : vector<1x128xi32> to vector<1x128xi32>
    %broadcast_in_dim3A_596 = vector.broadcast %broadcast_in_dim3A_595 : vector<1x128xi32> to vector<256x128xi32>
    %lt3A_597 = arith.cmpf olt, %slice3A_591, %select_n3A_589 : vector<256x128xf32>
    %select_n3A_598 = arith.select %lt3A_597, %slice3A_591, %select_n3A_589 : vector<256x128xi1>, vector<256x128xf32>
    %select_n3A_599 = arith.select %lt3A_597, %broadcast_in_dim3A_596, %select_n3A_590 : vector<256x128xi1>, vector<256x128xi32>
    %slice3A_600 = vector.extract_strided_slice %sqrt3A_563 {offsets = [0, 512], sizes = [256, 128], strides = [1, 1]} : vector<256x1024xf32> to vector<256x128xf32>
    %get3A_601 = arith.constant 0 : index
    %get3A_602 = arith.constant 6656 : index
    %get3A_603 = vector.load %arg6[%get3A_601, %get3A_602] : memref<1x8192xi32, #tpu.memory_space<vmem>>, vector<1x128xi32>
    %broadcast_in_dim3A_604 = vector.shape_cast %get3A_603 : vector<1x128xi32> to vector<1x128xi32>
    %broadcast_in_dim3A_605 = vector.broadcast %broadcast_in_dim3A_604 : vector<1x128xi32> to vector<256x128xi32>
    %lt3A_606 = arith.cmpf olt, %slice3A_600, %select_n3A_598 : vector<256x128xf32>
    %select_n3A_607 = arith.select %lt3A_606, %slice3A_600, %select_n3A_598 : vector<256x128xi1>, vector<256x128xf32>
    %select_n3A_608 = arith.select %lt3A_606, %broadcast_in_dim3A_605, %select_n3A_599 : vector<256x128xi1>, vector<256x128xi32>
    %slice3A_609 = vector.extract_strided_slice %sqrt3A_563 {offsets = [0, 640], sizes = [256, 128], strides = [1, 1]} : vector<256x1024xf32> to vector<256x128xf32>
    %get3A_610 = arith.constant 0 : index
    %get3A_611 = arith.constant 6784 : index
    %get3A_612 = vector.load %arg6[%get3A_610, %get3A_611] : memref<1x8192xi32, #tpu.memory_space<vmem>>, vector<1x128xi32>
    %broadcast_in_dim3A_613 = vector.shape_cast %get3A_612 : vector<1x128xi32> to vector<1x128xi32>
    %broadcast_in_dim3A_614 = vector.broadcast %broadcast_in_dim3A_613 : vector<1x128xi32> to vector<256x128xi32>
    %lt3A_615 = arith.cmpf olt, %slice3A_609, %select_n3A_607 : vector<256x128xf32>
    %select_n3A_616 = arith.select %lt3A_615, %slice3A_609, %select_n3A_607 : vector<256x128xi1>, vector<256x128xf32>
    %select_n3A_617 = arith.select %lt3A_615, %broadcast_in_dim3A_614, %select_n3A_608 : vector<256x128xi1>, vector<256x128xi32>
    %slice3A_618 = vector.extract_strided_slice %sqrt3A_563 {offsets = [0, 768], sizes = [256, 128], strides = [1, 1]} : vector<256x1024xf32> to vector<256x128xf32>
    %get3A_619 = arith.constant 0 : index
    %get3A_620 = arith.constant 6912 : index
    %get3A_621 = vector.load %arg6[%get3A_619, %get3A_620] : memref<1x8192xi32, #tpu.memory_space<vmem>>, vector<1x128xi32>
    %broadcast_in_dim3A_622 = vector.shape_cast %get3A_621 : vector<1x128xi32> to vector<1x128xi32>
    %broadcast_in_dim3A_623 = vector.broadcast %broadcast_in_dim3A_622 : vector<1x128xi32> to vector<256x128xi32>
    %lt3A_624 = arith.cmpf olt, %slice3A_618, %select_n3A_616 : vector<256x128xf32>
    %select_n3A_625 = arith.select %lt3A_624, %slice3A_618, %select_n3A_616 : vector<256x128xi1>, vector<256x128xf32>
    %select_n3A_626 = arith.select %lt3A_624, %broadcast_in_dim3A_623, %select_n3A_617 : vector<256x128xi1>, vector<256x128xi32>
    %slice3A_627 = vector.extract_strided_slice %sqrt3A_563 {offsets = [0, 896], sizes = [256, 128], strides = [1, 1]} : vector<256x1024xf32> to vector<256x128xf32>
    %get3A_628 = arith.constant 0 : index
    %get3A_629 = arith.constant 7040 : index
    %get3A_630 = vector.load %arg6[%get3A_628, %get3A_629] : memref<1x8192xi32, #tpu.memory_space<vmem>>, vector<1x128xi32>
    %broadcast_in_dim3A_631 = vector.shape_cast %get3A_630 : vector<1x128xi32> to vector<1x128xi32>
    %broadcast_in_dim3A_632 = vector.broadcast %broadcast_in_dim3A_631 : vector<1x128xi32> to vector<256x128xi32>
    %lt3A_633 = arith.cmpf olt, %slice3A_627, %select_n3A_625 : vector<256x128xf32>
    %select_n3A_634 = arith.select %lt3A_633, %slice3A_627, %select_n3A_625 : vector<256x128xi1>, vector<256x128xf32>
    %select_n3A_635 = arith.select %lt3A_633, %broadcast_in_dim3A_632, %select_n3A_626 : vector<256x128xi1>, vector<256x128xi32>
    %get3A_636 = arith.constant 7168 : index
    %get3A_637 = arith.constant 0 : index
    %get3A_638 = vector.load %arg2[%get3A_636, %get3A_637] : memref<8192x256xf32, #tpu.memory_space<vmem>>, vector<1024x256xf32>
    %dot_general3A_639 = arith.constant dense<0.000000e+00> : vector<256x1024xf32>
    %dot_general3A_640 = tpu.matmul %add3A, %get3A_638, %dot_general3A_639 {dimension_numbers = #tpu.dot_dimension_numbers<[1], [1], [0], [0], [0, 0, 1, 0], [], []>, transpose_lhs_hint = false} : vector<256x256xf32>, vector<1024x256xf32>, vector<256x1024xf32> -> vector<256x1024xf32>
    %get3A_641 = arith.constant 0 : index
    %get3A_642 = arith.constant 7168 : index
    %get3A_643 = vector.load %arg5[%get3A_641, %get3A_642] : memref<1x8192xf32, #tpu.memory_space<vmem>>, vector<1x1024xf32>
    %get3A_644 = arith.constant 0 : index
    %get3A_645 = arith.constant 0 : index
    %get3A_646 = vector.load %arg7[%get3A_644, %get3A_645] : memref<256x1024xf32, #tpu.memory_space<vmem>>, vector<256x1024xf32>
    %sub3A_647 = arith.subf %get3A_646, %dot_general3A_640 : vector<256x1024xf32>
    %add3A_648 = vector.broadcast %get3A_643 : vector<1x1024xf32> to vector<256x1024xf32>
    %add3A_649 = arith.addf %sub3A_647, %add3A_648 : vector<256x1024xf32>
    %max3A_650 = arith.constant 0.000000e+00 : f32
    %max3A_651 = vector.broadcast %max3A_650 : f32 to vector<256x1024xf32>
    %max3A_652 = arith.maximumf %add3A_649, %max3A_651 : vector<256x1024xf32>
    %sqrt3A_653 = math.sqrt %max3A_652 : vector<256x1024xf32>
    %slice3A_654 = vector.extract_strided_slice %sqrt3A_653 {offsets = [0, 0], sizes = [256, 128], strides = [1, 1]} : vector<256x1024xf32> to vector<256x128xf32>
    %get3A_655 = arith.constant 0 : index
    %get3A_656 = arith.constant 7168 : index
    %get3A_657 = vector.load %arg6[%get3A_655, %get3A_656] : memref<1x8192xi32, #tpu.memory_space<vmem>>, vector<1x128xi32>
    %broadcast_in_dim3A_658 = vector.shape_cast %get3A_657 : vector<1x128xi32> to vector<1x128xi32>
    %broadcast_in_dim3A_659 = vector.broadcast %broadcast_in_dim3A_658 : vector<1x128xi32> to vector<256x128xi32>
    %lt3A_660 = arith.cmpf olt, %slice3A_654, %select_n3A_634 : vector<256x128xf32>
    %select_n3A_661 = arith.select %lt3A_660, %slice3A_654, %select_n3A_634 : vector<256x128xi1>, vector<256x128xf32>
    %select_n3A_662 = arith.select %lt3A_660, %broadcast_in_dim3A_659, %select_n3A_635 : vector<256x128xi1>, vector<256x128xi32>
    %slice3A_663 = vector.extract_strided_slice %sqrt3A_653 {offsets = [0, 128], sizes = [256, 128], strides = [1, 1]} : vector<256x1024xf32> to vector<256x128xf32>
    %get3A_664 = arith.constant 0 : index
    %get3A_665 = arith.constant 7296 : index
    %get3A_666 = vector.load %arg6[%get3A_664, %get3A_665] : memref<1x8192xi32, #tpu.memory_space<vmem>>, vector<1x128xi32>
    %broadcast_in_dim3A_667 = vector.shape_cast %get3A_666 : vector<1x128xi32> to vector<1x128xi32>
    %broadcast_in_dim3A_668 = vector.broadcast %broadcast_in_dim3A_667 : vector<1x128xi32> to vector<256x128xi32>
    %lt3A_669 = arith.cmpf olt, %slice3A_663, %select_n3A_661 : vector<256x128xf32>
    %select_n3A_670 = arith.select %lt3A_669, %slice3A_663, %select_n3A_661 : vector<256x128xi1>, vector<256x128xf32>
    %select_n3A_671 = arith.select %lt3A_669, %broadcast_in_dim3A_668, %select_n3A_662 : vector<256x128xi1>, vector<256x128xi32>
    %slice3A_672 = vector.extract_strided_slice %sqrt3A_653 {offsets = [0, 256], sizes = [256, 128], strides = [1, 1]} : vector<256x1024xf32> to vector<256x128xf32>
    %get3A_673 = arith.constant 0 : index
    %get3A_674 = arith.constant 7424 : index
    %get3A_675 = vector.load %arg6[%get3A_673, %get3A_674] : memref<1x8192xi32, #tpu.memory_space<vmem>>, vector<1x128xi32>
    %broadcast_in_dim3A_676 = vector.shape_cast %get3A_675 : vector<1x128xi32> to vector<1x128xi32>
    %broadcast_in_dim3A_677 = vector.broadcast %broadcast_in_dim3A_676 : vector<1x128xi32> to vector<256x128xi32>
    %lt3A_678 = arith.cmpf olt, %slice3A_672, %select_n3A_670 : vector<256x128xf32>
    %select_n3A_679 = arith.select %lt3A_678, %slice3A_672, %select_n3A_670 : vector<256x128xi1>, vector<256x128xf32>
    %select_n3A_680 = arith.select %lt3A_678, %broadcast_in_dim3A_677, %select_n3A_671 : vector<256x128xi1>, vector<256x128xi32>
    %slice3A_681 = vector.extract_strided_slice %sqrt3A_653 {offsets = [0, 384], sizes = [256, 128], strides = [1, 1]} : vector<256x1024xf32> to vector<256x128xf32>
    %get3A_682 = arith.constant 0 : index
    %get3A_683 = arith.constant 7552 : index
    %get3A_684 = vector.load %arg6[%get3A_682, %get3A_683] : memref<1x8192xi32, #tpu.memory_space<vmem>>, vector<1x128xi32>
    %broadcast_in_dim3A_685 = vector.shape_cast %get3A_684 : vector<1x128xi32> to vector<1x128xi32>
    %broadcast_in_dim3A_686 = vector.broadcast %broadcast_in_dim3A_685 : vector<1x128xi32> to vector<256x128xi32>
    %lt3A_687 = arith.cmpf olt, %slice3A_681, %select_n3A_679 : vector<256x128xf32>
    %select_n3A_688 = arith.select %lt3A_687, %slice3A_681, %select_n3A_679 : vector<256x128xi1>, vector<256x128xf32>
    %select_n3A_689 = arith.select %lt3A_687, %broadcast_in_dim3A_686, %select_n3A_680 : vector<256x128xi1>, vector<256x128xi32>
    %slice3A_690 = vector.extract_strided_slice %sqrt3A_653 {offsets = [0, 512], sizes = [256, 128], strides = [1, 1]} : vector<256x1024xf32> to vector<256x128xf32>
    %get3A_691 = arith.constant 0 : index
    %get3A_692 = arith.constant 7680 : index
    %get3A_693 = vector.load %arg6[%get3A_691, %get3A_692] : memref<1x8192xi32, #tpu.memory_space<vmem>>, vector<1x128xi32>
    %broadcast_in_dim3A_694 = vector.shape_cast %get3A_693 : vector<1x128xi32> to vector<1x128xi32>
    %broadcast_in_dim3A_695 = vector.broadcast %broadcast_in_dim3A_694 : vector<1x128xi32> to vector<256x128xi32>
    %lt3A_696 = arith.cmpf olt, %slice3A_690, %select_n3A_688 : vector<256x128xf32>
    %select_n3A_697 = arith.select %lt3A_696, %slice3A_690, %select_n3A_688 : vector<256x128xi1>, vector<256x128xf32>
    %select_n3A_698 = arith.select %lt3A_696, %broadcast_in_dim3A_695, %select_n3A_689 : vector<256x128xi1>, vector<256x128xi32>
    %slice3A_699 = vector.extract_strided_slice %sqrt3A_653 {offsets = [0, 640], sizes = [256, 128], strides = [1, 1]} : vector<256x1024xf32> to vector<256x128xf32>
    %get3A_700 = arith.constant 0 : index
    %get3A_701 = arith.constant 7808 : index
    %get3A_702 = vector.load %arg6[%get3A_700, %get3A_701] : memref<1x8192xi32, #tpu.memory_space<vmem>>, vector<1x128xi32>
    %broadcast_in_dim3A_703 = vector.shape_cast %get3A_702 : vector<1x128xi32> to vector<1x128xi32>
    %broadcast_in_dim3A_704 = vector.broadcast %broadcast_in_dim3A_703 : vector<1x128xi32> to vector<256x128xi32>
    %lt3A_705 = arith.cmpf olt, %slice3A_699, %select_n3A_697 : vector<256x128xf32>
    %select_n3A_706 = arith.select %lt3A_705, %slice3A_699, %select_n3A_697 : vector<256x128xi1>, vector<256x128xf32>
    %select_n3A_707 = arith.select %lt3A_705, %broadcast_in_dim3A_704, %select_n3A_698 : vector<256x128xi1>, vector<256x128xi32>
    %slice3A_708 = vector.extract_strided_slice %sqrt3A_653 {offsets = [0, 768], sizes = [256, 128], strides = [1, 1]} : vector<256x1024xf32> to vector<256x128xf32>
    %get3A_709 = arith.constant 0 : index
    %get3A_710 = arith.constant 7936 : index
    %get3A_711 = vector.load %arg6[%get3A_709, %get3A_710] : memref<1x8192xi32, #tpu.memory_space<vmem>>, vector<1x128xi32>
    %broadcast_in_dim3A_712 = vector.shape_cast %get3A_711 : vector<1x128xi32> to vector<1x128xi32>
    %broadcast_in_dim3A_713 = vector.broadcast %broadcast_in_dim3A_712 : vector<1x128xi32> to vector<256x128xi32>
    %lt3A_714 = arith.cmpf olt, %slice3A_708, %select_n3A_706 : vector<256x128xf32>
    %select_n3A_715 = arith.select %lt3A_714, %slice3A_708, %select_n3A_706 : vector<256x128xi1>, vector<256x128xf32>
    %select_n3A_716 = arith.select %lt3A_714, %broadcast_in_dim3A_713, %select_n3A_707 : vector<256x128xi1>, vector<256x128xi32>
    %slice3A_717 = vector.extract_strided_slice %sqrt3A_653 {offsets = [0, 896], sizes = [256, 128], strides = [1, 1]} : vector<256x1024xf32> to vector<256x128xf32>
    %get3A_718 = arith.constant 0 : index
    %get3A_719 = arith.constant 8064 : index
    %get3A_720 = vector.load %arg6[%get3A_718, %get3A_719] : memref<1x8192xi32, #tpu.memory_space<vmem>>, vector<1x128xi32>
    %broadcast_in_dim3A_721 = vector.shape_cast %get3A_720 : vector<1x128xi32> to vector<1x128xi32>
    %broadcast_in_dim3A_722 = vector.broadcast %broadcast_in_dim3A_721 : vector<1x128xi32> to vector<256x128xi32>
    %lt3A_723 = arith.cmpf olt, %slice3A_717, %select_n3A_715 : vector<256x128xf32>
    %select_n3A_724 = arith.select %lt3A_723, %slice3A_717, %select_n3A_715 : vector<256x128xi1>, vector<256x128xf32>
    %select_n3A_725 = arith.select %lt3A_723, %broadcast_in_dim3A_722, %select_n3A_716 : vector<256x128xi1>, vector<256x128xi32>
    %reduce_min3A = arith.constant dense<0x7F800000> : vector<256xf32>
    %reduce_min3A_726 = vector.multi_reduction <minimumf>, %select_n3A_724, %reduce_min3A [1] : vector<256x128xf32> to vector<256xf32>
    %broadcast_in_dim3A_727 = vector.shape_cast %reduce_min3A_726 : vector<256xf32> to vector<256x1xf32>
    %eq3A_728 = vector.broadcast %broadcast_in_dim3A_727 : vector<256x1xf32> to vector<256x128xf32>
    %eq3A_729 = arith.cmpf oeq, %select_n3A_724, %eq3A_728 : vector<256x128xf32>
    %jit3A = arith.constant 8192 : i32
    %broadcast_in_dim3A_730 = vector.broadcast %jit3A : i32 to vector<256x128xi32>
    %select_n3A_731 = arith.select %eq3A_729, %select_n3A_725, %broadcast_in_dim3A_730 : vector<256x128xi1>, vector<256x128xi32>
    %reduce_min3A_732 = arith.constant dense<2147483647> : vector<256xi32>
    %reduce_min3A_733 = vector.multi_reduction <minsi>, %select_n3A_731, %reduce_min3A_732 [1] : vector<256x128xi32> to vector<256xi32>
    %swap3A_734 = arith.constant 0 : index
    %swap3A_735 = arith.constant 0 : index
    %swap3A_736 = arith.constant 0 : index
    %swap3A_737 = vector.load %arg3[%swap3A_734, %swap3A_735, %swap3A_736] : memref<1x1x256xi32, #tpu.memory_space<vmem>>, vector<1x1x256xi32>
    %swap3A_738 = vector.shape_cast %swap3A_737 : vector<1x1x256xi32> to vector<256xi32>
    %swap3A_739 = vector.shape_cast %reduce_min3A_733 : vector<256xi32> to vector<1x1x256xi32>
    tpu.vector_store %arg3[%swap3A_734, %swap3A_735, %swap3A_736], %swap3A_739 {strides = array<i32>} : memref<1x1x256xi32, #tpu.memory_space<vmem>>, vector<1x1x256xi32>,
    %mul3A_740 = arith.mulf %broadcast_in_dim3A_727, %broadcast_in_dim3A_727 : vector<256x1xf32>
    %squeeze3A = vector.shape_cast %mul3A_740 : vector<256x1xf32> to vector<256xf32>
    %swap3A_741 = arith.constant 0 : index
    %swap3A_742 = arith.constant 0 : index
    %swap3A_743 = arith.constant 0 : index
    %swap3A_744 = vector.load %arg4[%swap3A_741, %swap3A_742, %swap3A_743] : memref<1x1x256xf32, #tpu.memory_space<vmem>>, vector<1x1x256xf32>
    %swap3A_745 = vector.shape_cast %swap3A_744 : vector<1x1x256xf32> to vector<256xf32>
    %swap3A_746 = vector.shape_cast %squeeze3A : vector<256xf32> to vector<1x1x256xf32>
    tpu.vector_store %arg4[%swap3A_741, %swap3A_742, %swap3A_743], %swap3A_746 {strides = array<i32>} : memref<1x1x256xf32, #tpu.memory_space<vmem>>, vector<1x1x256xf32>,
    return
  }
  func.func @transform_0(%arg0: i32) -> (i32, i32) {
    %c0_i32 = arith.constant 0 : i32
    %c0_i32_0 = arith.constant 0 : i32
    return %arg0, %c0_i32 : i32, i32
  }
  func.func @transform_1(%arg0: i32) -> (i32, i32) {
    %c0_i32 = arith.constant 0 : i32
    %c0_i32_0 = arith.constant 0 : i32
    %c0_i32_1 = arith.constant 0 : i32
    return %c0_i32, %c0_i32_0 : i32, i32
  }
  func.func @transform_2(%arg0: i32) -> (i32, i32, i32) {
    %c0_i32 = arith.constant 0 : i32
    %c0_i32_0 = arith.constant 0 : i32
    %c0_i32_1 = arith.constant 0 : i32
    return %arg0, %c0_i32, %c0_i32_0 : i32, i32, i32
  }
  func.func @transform_3(%arg0: i32) -> (i32, i32, i32) {
    %c0_i32 = arith.constant 0 : i32
    %c0_i32_0 = arith.constant 0 : i32
    %c0_i32_1 = arith.constant 0 : i32
    return %arg0, %c0_i32, %c0_i32_0 : i32, i32, i32
  }
}

</mosaic_0001>

<sc_bundles>
// kernel: kernel.4.cloned.1.call-start
scs
__scs_entry_jumppad:
0x0: {  	(pc) =	sbr.rel $0x88, $3  }
0x1: {  	(tag) =	ssettag $0x0;
	lr =	simm.s32 $0x1  }
0x2: {  	[smem:$0x3F9F] =	sst lr;
	_ =	strace $0xD0000000  }
0x3: {  	_ = 	snop  }
0x4: {  	_ = 	snop  }
0x5: {  	_ = 	snop  }
0x6: {  	_ = 	snop  }
0x7: {  	_ = 	snop  }
__scs_overlays_trampoline_lowered:
0x8: {  	[smem:$0x3FAE] =	sst s0  }
0x9: {  	[smem:$0x3FAF] =	sst s1  }
0xa: {  	[smem:$0x3FB0] =	sst s2  }
0xb: {  	[smem:$0x3FB1] =	sst s3  }
0xc: {  	[smem:$0x3FB2] =	sst s4  }
0xd: {  	[smem:$0x3FB3] =	sst s5  }
0xe: {  	[smem:$0x3FB4] =	sst s6  }
0xf: {  	[smem:$0x3FB5] =	sst s7  }
0x10: {  	[smem:$0x3FB6] =	sst s8  }
0x11: {  	[smem:$0x3FB7] =	sst s9;
	s0 =	simm.s32 @!p0 $0x0  }
0x12: {  	s1 =	sld [smem:$0x3F9D];
	s0 =	simm.s32 @p0 $0x1  }
0x13: {  	[smem:$0x3FB8] =	sst s0;
	s0 =	simm.s32 @!p1 $0x0  }
0x14: {  	s2 =	sld [smem:$0x3F9C];
	s0 =	simm.s32 @p1 $0x1  }
0x15: {  	[smem:$0x3FB9] =	sst s0;
	s0 =	simm.s32 @!p2 $0x0  }
0x16: {  	s3 =	sld [smem:$0x3FDB];
	s0 =	simm.s32 @p2 $0x1  }
0x17: {  	s4 =	simm.s32 $0x1BF5;
	[smem:$0x3FBB] =	sst s0  }
0x18: {  	s0 =	sld [smem:$0x3F9E];
	_ =	swait.ge [sflag:s4], $0x0  }
0x19: {  	s7 =	sld [smem:$0x3F9F]  }
0x1a: {  	s8 =	sadd.s32 $0xFFFFE003, lr  }
0x1b: {  	s9 =	sadd.s32 $0xFFFFFEF7, lr;
	s5 =	simm.s32 $0xFFFFFFFF;
	p2 =	slt.u32 s8, $0xFFFFF086  }
0x1c: {  	p1 =	slt.u32 s9, $0xF7A;
	s5 =	simm.s32 @!p2 $0x0  }
0x1d: {  	s5 =	simm.s32 @p1 $0x1;
	p0 =	seq.s32 s7, s2  }
0x1e: {  	s7 =	smul.u32 @!p0 $0xF7A, s2;
	p2 =	seq.s32 @!p0 s5, $0x0  }
0x1f: {  	s9 =	smul.u32 $0xF7A, s1;
	s8 =	simm.s32 @!p0 $0x1BF5;
	p2 =	por !p2, p0  }
0x20: {  	[sflag:s8] =	ssyncset.s32 @!p0 $0xFFFFF086;
	s6 =	sadd.s32 @!p0 s3, s7;
	s7 =	simm.s32 @!p0 $0x108  }
0x21: {  	s3 =	sadd.s32 s3, s9;
	s6 =	sadd.s32 @!p0 $0x88, s6;
	s7 =	simm.s32 @p2 $0x1082  }
0x22: {  	[simem:s7], [sflag:s8] =	dma.local @!p0 [hbm:s6], $0xF7A  }
0x23: {  	s9 =	sor.u32 $0xD0000000, s2;
	s6 =	simm.s32 $0x108;
	_ =	swait.ge @!p0 [sflag:s8], $0x0  }
0x24: {  	s3 =	sadd.s32 $0x88, s3;
	s6 =	simm.s32 @!p1 $0x1082;
	[sflag:s4] =	ssyncset.s32 $0xFFFFF086  }
0x25: {  	[simem:s6], [sflag:s4] =	dma.local [hbm:s3], $0xF7A  }
0x26: {  	[smem:$0x3F9F] =	sst s1;
	(tag) =	ssettag s2;
	_ =	strace s9  }
0x27: {  	s1 =	sld [smem:$0x3FAF]  }
0x28: {  	s2 =	sld [smem:$0x3FB0]  }
0x29: {  	s4 =	sld [smem:$0x3FB2]  }
0x2a: {  	p0 =	seq.s32 s5, $0x0;
	s5 =	sld [smem:$0x3FB3]  }
0x2b: {  	s6 =	sld [smem:$0x3FB4]  }
0x2c: {  	s7 =	sld [smem:$0x3FB5]  }
0x2d: {  	s3 =	simm.s32 $0x108;
	s8 =	sld [smem:$0x3FB6]  }
0x2e: {  	s3 =	simm.s32 @!p0 $0x1082;
	s9 =	sld [smem:$0x3FB7]  }
0x2f: {  	lr =	sadd.s32 s0, s3;
	s0 =	sld [smem:$0x3FAE]  }
0x30: {  	s3 =	sld [smem:$0x3FB1]  }
0x31: {  	[smem:$0x3FBA] =	sst s10  }
0x32: {  	s10 =	sld [smem:$0x3FB8];
	_ =	sdelay $0x3  }
0x33: {  	p0 =	seq.s32 s10, $0x1;
	s10 =	sld [smem:$0x3FBA];
	_ =	sdelay $0x3  }
0x34: {  	[smem:$0x3FBA] =	sst s10  }
0x35: {  	s10 =	sld [smem:$0x3FB9];
	_ =	sdelay $0x3  }
0x36: {  	p1 =	seq.s32 s10, $0x1;
	s10 =	sld [smem:$0x3FBA];
	_ =	sdelay $0x3  }
0x37: {  	[smem:$0x3FBA] =	sst s10  }
0x38: {  	s10 =	sld [smem:$0x3FBB]  }
0x39: {  	_ = 	snop;
	(pc) =	sbr.ind lr, $3  }
0x3a: {  	_ = 	snop  }
0x3b: {  	_ = 	snop  }
0x3c: {  	p2 =	seq.s32 s10, $0x1;
	s10 =	sld [smem:$0x3FBA]  }
0x3d: {  	_ =	shalt  }
0x3e: {  	_ =	shalt  }
0x3f: {  	_ =	shalt  }
0x40: {  	_ =	shalt  }
0x41: {  	_ =	shalt  }
0x42: {  	_ =	shalt  }
0x43: {  	_ =	shalt  }
0x44: {  	_ =	shalt  }
0x45: {  	_ =	shalt  }
0x46: {  	_ =	shalt  }
0x47: {  	_ =	shalt  }
0x48: {  	_ =	shalt  }
0x49: {  	_ =	shalt  }
0x4a: {  	_ =	shalt  }
0x4b: {  	_ =	shalt  }
0x4c: {  	_ =	shalt  }
0x4d: {  	_ =	shalt  }
0x4e: {  	_ =	shalt  }
0x4f: {  	_ =	shalt  }
0x50: {  	_ =	shalt  }
0x51: {  	_ =	shalt  }
0x52: {  	_ =	shalt  }
0x53: {  	_ =	shalt  }
0x54: {  	_ =	shalt  }
0x55: {  	_ =	shalt  }
0x56: {  	_ =	shalt  }
0x57: {  	_ =	shalt  }
0x58: {  	_ =	shalt  }
0x59: {  	_ =	shalt  }
0x5a: {  	_ =	shalt  }
0x5b: {  	_ =	shalt  }
0x5c: {  	_ =	shalt  }
0x5d: {  	_ =	shalt  }
0x5e: {  	_ =	shalt  }
0x5f: {  	_ =	shalt  }
0x60: {  	_ =	shalt  }
0x61: {  	_ =	shalt  }
0x62: {  	_ =	shalt  }
0x63: {  	_ =	shalt  }
0x64: {  	_ =	shalt  }
0x65: {  	_ =	shalt  }
0x66: {  	_ =	shalt  }
0x67: {  	_ =	shalt  }
0x68: {  	_ =	shalt  }
0x69: {  	_ =	shalt  }
0x6a: {  	_ =	shalt  }
0x6b: {  	_ =	shalt  }
0x6c: {  	_ =	shalt  }
0x6d: {  	_ =	shalt  }
0x6e: {  	_ =	shalt  }
0x6f: {  	_ =	shalt  }
0x70: {  	_ =	shalt  }
0x71: {  	_ =	shalt  }
0x72: {  	_ =	shalt  }
0x73: {  	_ =	shalt  }
0x74: {  	_ =	shalt  }
0x75: {  	_ =	shalt  }
0x76: {  	_ =	shalt  }
0x77: {  	_ =	shalt  }
0x78: {  	_ =	shalt  }
0x79: {  	_ =	shalt  }
0x7a: {  	_ =	shalt  }
0x7b: {  	_ =	shalt  }
0x7c: {  	_ =	shalt  }
0x7d: {  	_ =	shalt  }
0x7e: {  	_ =	shalt  }
0x7f: {  	_ =	shalt  }
0x80: {  	_ =	shalt  }
0x81: {  	_ =	shalt  }
0x82: {  	_ =	shalt  }
0x83: {  	_ =	shalt  }
0x84: {  	_ =	shalt  }
0x85: {  	_ =	shalt  }
0x86: {  	_ =	shalt  }
0x87: {  	_ =	shalt  }
.Lfunc_end0:
.L_simem_size_0:
called_computation_lowered:
.L_overlay_start_0:
0x88: {  	s2 =	sld [smem:$0x3FD9]  }
0x89: {  	s3 =	sld [smem:$0x3FFE];
	_ =	sdelay $0x1  }
0x8a: {  	s1 =	srdreg.scid  }
0x8b: {  	s0 =	sand.u32 $0x1, s1  }
0x8c: {  	s14 =	sshll.u32 s0, $0xA;
	s2 =	sadd.s32 s3, s2  }
0x8d: {  	s2 =	sadd.s32 s2, s14  }
0x8e: {  	[smem:$0x3FC6] =	sst s2  }
0x8f: {  	_ = 	snop  }
0x90: {  	s2 =	sld [smem:$0x3FD0];
	_ =	sdelay $0x2  }
0x91: {  	s4 =	simm.s32 $0xA;
	s5 =	simm.s32 $0x10;
	s15 =	sld [smem:$0x3FC8]  }
0x92: {  	[smem:s5], [sflag:s4] =	dma.local [hbm:s2], $0x1  }
0x93: {  	_ =	swait.eq [sflag:s4], $0x1  }
0x94: {  	[sflag:s4] =	ssyncset.done $0x0  }
0x95: {  	[sflag:s4] =	ssyncadd.s32 $0xFFFFFFFF  }
0x96: {  	s16 =	sld [smem:$0x10];
	(tm) =	ssettm $0x1  }
0x97: {  	s17 =	sld [smem:$0x3FFB];
	_ =	sdelay $0x3  }
0x98: {  	_ =	strace s17  }
0x99: {  	s4 =	sld [smem:$0x3FFC];
	_ =	sdelay $0x3  }
0x9a: {  	_ =	strace s4  }
0x9b: {  	s4 =	sld [smem:$0x3FFD];
	_ =	sdelay $0x3  }
0x9c: {  	_ =	strace s4  }
0x9d: {  	_ =	strace $0x8FFFFFFF  }
0x9e: {  	s18 =	sld [smem:$0x3FDB];
	_ =	sdelay $0x1  }
0x9f: {  	s19 =	simm.s32 $_scs_section_size  }
0xa0: {  	s6 =	simm.s32 $_size__tile_overlayer_lowered;
	s7 =	simm.s32 $_tile_overlayer_lowered  }
0xa1: {  	s22 =	simm.s32 $0x1BFF;
	s21 =	sshll.u32 s7, $0x1;
	s4 =	sadd.s32 s19, s18  }
0xa2: {  	s8 =	simm.s32 $0x0;
	s20 =	sshll.u32 s6, $0x1;
	s6 =	sadd.s32 s21, s4  }
0xa3: {  	[timem:s8], [sflag:s22] =	dma.local [hbm:s6], s20  }
0xa4: {  	_ =	swait.ge [sflag:s22], s20  }
0xa5: {  	s5 =	ssub.s32 $0x0, s20;
	[sflag:s22] =	ssyncset.done $0x0  }
0xa6: {  	[sflag:s22] =	ssyncadd.s32 s5;
	_ =	sdelay $0x1  }
0xa7: {  	s23 =	simm.s32 $0x1B8B  }
0xa8: {  	_ =	swait.ge [sflag:s23], $0x1  }
0xa9: {  	[sflag:s23] =	ssyncset.done $0x0  }
0xaa: {  	s25 =	simm.s32 $0x1B8E;
	s24 =	sld [smem:$0x3FFE];
	[sflag:s23] =	ssyncadd.s32 $0xFFFFFFFF  }
0xab: {  	s26 =	simm.s32 $execute0_lowered;
	[smem:$0x3FD2] =	sst s25  }
0xac: {  	s6 =	sshll.u32 s26, $0x1;
	_ =	strace $0x80000046;
	[dreg:$0x1] =	wrdreg $0xFFFFFFFF  }
0xad: {  	s28 =	simm.s32 $_size_execute0_lowered;
	s4 =	sadd.s32 s4, s6;
	[dreg:$0x0] =	wrdreg $0x0  }
0xae: {  	s6 =	sshll.u32 s28, $0x1;
	[dreg:$0x2] =	wrdreg s4  }
0xaf: {  	[dreg:$0x3] =	wrdreg s6  }
0xb0: {  	[dreg:$0x4] =	wrdreg $0xC0  }
0xb1: {  	_ =	task [dreg:s8], $0x5FFFF  }
0xb2: {  	[dreg:$0x1] =	wrdreg $0xFFFFFFFF  }
0xb3: {  	[dreg:$0x0] =	wrdreg $0x60  }
0xb4: {  	[dreg:$0x2] =	wrdreg s15  }
0xb5: {  	[dreg:$0x3] =	wrdreg s16  }
0xb6: {  	[dreg:$0x4] =	wrdreg s24  }
0xb7: {  	[dreg:$0x5] =	wrdreg $0x9  }
0xb8: {  	_ =	task.clear_ibuf [dreg:s8], $0x6FFFF;
	_ =	strace $0x90000046  }
0xb9: {  	s29 =	simm.s32 $0x9;
	_ =	strace $0x80000048  }
0xba: {  	_ =	swait.ge [sflag:s29], $0x1  }
0xbb: {  	[sflag:s29] =	ssyncadd.s32 $0xFFFFFFFF  }
0xbc: {  	_ =	strace $0x90000048  }
0xbd: {  	_ =	sfence  }
0xbe: {  	s30 =	sld [smem:$0x0];
	_ =	sdelay $0x2  }
0xbf: {  	s31 =	sshll.u32 s1, $0xD;
	s1 =	sshrl.u32 s1, $0x2  }
0xc0: {  	s3 =	sand.u32 $0x4000, s31;
	s1 =	sadd.s32 s1, s30  }
0xc1: {  	s0 =	sor.u32 s3, s0;
	s1 =	sshll.u32 s1, $0x11  }
0xc2: {  	s0 =	sor.u32 s1, s0  }
0xc3: {  	s0 =	sadd.s32 $0x8F2B, s0  }
0xc4: {  	[sflag:s0] =	ssyncadd.remote.s32 $0x1  }
0xc5: {  	_ =	sfence.sel $0xFFFF  }
0xc6: {  	[dreg:$0x0] =	wrdreg $0xFFFFFFFF;
	(pc) =	sbr.abs _section_cstart, $3  }
0xc7: {  	[dreg:$0x1] =	wrdreg $0xFFFFFFFF  }
0xc8: {  	_ =	task.clear_ibuf [dreg:s8], $0x2FFFF;
	_ =	strace $0x9FFFFFFF  }
0xc9: {  	(tm) =	ssettm $0x7FFFFFFF  }
tec
execute0_lowered:
.L_overlay_start_1:
0x0: {  	(tag) =	ssettag $0x1  }
0x1: {  	s1 =	rddreg [dreg:$0x0]  }
0x2: {  	s2 =	srdreg.scid;
	s4 =	rddreg [dreg:$0x1]  }
0x3: {  	s0 =	stileid.u32;
	s5 =	rddreg [dreg:$0x2];
	s3 =	simm.s32 $0x0  }
0x4: {  	s19 =	simm.s32 $0x900;
	s20 =	simm.s32 $0x1100;
	s21 =	simm.s32 $0x1900  }
0x5: {  	s23 =	simm.s32 $0x2100;
	s24 =	simm.s32 $0x2900;
	s25 =	simm.s32 $0x3100  }
0x6: {  	s26 =	simm.s32 $0x3900;
	s8 =	simm.s32 $0x4900;
	s9 =	simm.s32 $0x5100  }
0x7: {  	s10 =	simm.s32 $0x5900;
	s11 =	simm.s32 $0x6100;
	s12 =	simm.s32 $0x6900  }
0x8: {  	s13 =	simm.s32 $0x7100;
	s14 =	simm.s32 $0x7900;
	[smem:$0x7FF] =	sst s3  }
0x9: {  	s15 =	simm.s32 $0x8100;
	_ =	strace $0x80000047;
	[dreg:$0x6] =	wrdreg s19  }
0xa: {  	s16 =	simm.s32 $0x8900;
	s17 =	simm.s32 $0x9100;
	[dreg:$0x7] =	wrdreg s20  }
0xb: {  	s28 =	simm.s32 $0xE100;
	s29 =	simm.s32 $0xE900;
	[dreg:$0x8] =	wrdreg s21  }
0xc: {  	s30 =	simm.s32 $0xF100;
	s31 =	simm.s32 $0xF900;
	[dreg:$0x9] =	wrdreg s23  }
0xd: {  	s2 =	sand.u32 $0x1, s2;
	s6 =	sshll.u32 s0, $0x9;
	[dreg:$0xa] =	wrdreg s24  }
0xe: {  	s7 =	sshll.u32 s2, $0x8;
	s2 =	ssub.s32 $0x2, s2;
	[dreg:$0xb] =	wrdreg s25  }
0xf: {  	[dreg:$0xc] =	wrdreg s26;
	s19 =	simm.s32 $0xA100;
	s20 =	simm.s32 $0xA900  }
0x10: {  	s21 =	simm.s32 $0xB100;
	s23 =	simm.s32 $0xC100;
	s24 =	simm.s32 $0xC900  }
0x11: {  	s25 =	simm.s32 $0xD100;
	s26 =	simm.s32 $0xD900;
	s6 =	sor.u32 s7, s6  }
0x12: {  	s22 =	sshrl.u32 s2, $0x1;
	s7 =	sshll.u32 s6, $0x5;
	s6 =	sshrl.u32 s6, $0x3  }
0x13: {  	s2 =	ssub.s32 s2, s22;
	s22 =	simm.s32 $0xB900;
	s4 =	sadd.s32 s4, s6  }
0x14: {  	v2 =	vlaneseq.u32;
	s5 =	sadd.s32 s7, s5;
	s6 =	simm.s32 $0x100;
	[dreg:$0x4] =	wrdreg s4  }
0x15: {  	vm0 =	vmmov $0xffff;
	v1 =	vshrl.u32 v2, $0x3;
	s18 =	sadd.s32 $0x200, s5;
	s4 =	smax.u32 s2, $0x1;
	s5 =	simm.s32 $0x2  }
0x16: {  	v0 =	vand.u32 $0x7, v2;
	v2 =	vor.u32 $0x8, v2;
	v1 =	vmul.u32 $0x8, v1;
	s2 =	simm.s32 $0x1;
	[dreg:$0x5] =	wrdreg s18;
	s18 =	simm.s32 $0x9900  }
.LBB2_1:
0x17: {  	s0 =	rddreg [dreg:$0x4]  }
0x18: {  	[tilespmem:s3], [sflag:$0x2] =	stream.linear.gather [hbm4b:s0+s3], $0x100, $0x38;
	[tilespmem:$0x10100] =	vst v63  }
0x19: {  	_ =	swait.ge [sflag:s5], $0x100  }
0x1a: {  	[sflag:s5] =	ssyncset.done $0x0  }
0x1b: {  	[sflag:s5] =	ssyncadd.s32 $0xFFFFFF00  }
0x1c: {  	v3 =	vld [tilespmem:$0x0];
	_ =	sdelay $0x4  }
0x1d: {  	v4 =	vshll.u32 v3, $0x1  }
0x1e: {  	v3 =	vand.u32 $0x7, v3;
	v4 =	vand.u32 $0xFFFFFFF0, v4  }
0x1f: {  	v3 =	vor.u32 v3, v4  }
0x20: {  	v4 =	vperm.xlane v3, v0;
	_ =	sdelay $0x1  }
0x21: {  	v3 =	vperm.xlane v3, v2;
	v4 =	vadd.s32 v1, v4;
	_ =	sdelay $0x1  }
0x22: {  	v3 =	vadd.s32 v1, v3;
	_ =	sdelay $0x2  }
0x23: {  	[tilespmem:s6], [sflag:$0x1] =	stream.indirect_vreg.gather [hbm4b:s1+s3], $0x80, v4, vm0, $0xb8;
	[tilespmem:$0x10100] =	vst v63  }
0x24: {  	s7 =	rddreg [dreg:$0x6]  }
0x25: {  	[tilespmem:s7], [sflag:$0x1] =	stream.indirect_vreg.gather [hbm4b:s1+s3], $0x80, v3, vm0, $0xb8;
	[tilespmem:$0x10100] =	vst v63  }
0x26: {  	v3 =	vld [tilespmem:$0x10];
	_ =	sdelay $0x4  }
0x27: {  	v49 =	vshll.u32 v3, $0x1  }
0x28: {  	v3 =	vand.u32 $0x7, v3;
	v4 =	vand.u32 $0xFFFFFFF0, v49  }
0x29: {  	v3 =	vor.u32 v3, v4  }
0x2a: {  	v4 =	vperm.xlane v3, v0;
	_ =	sdelay $0x1  }
0x2b: {  	v3 =	vperm.xlane v3, v2;
	v4 =	vadd.s32 v1, v4;
	_ =	sdelay $0x1  }
0x2c: {  	v3 =	vadd.s32 v1, v3;
	_ =	sdelay $0x1  }
0x2d: {  	s0 =	rddreg [dreg:$0x7]  }
0x2e: {  	[tilespmem:s0], [sflag:$0x1] =	stream.indirect_vreg.gather [hbm4b:s1+s3], $0x80, v4, vm0, $0xb8;
	[tilespmem:$0x10100] =	vst v63  }
0x2f: {  	s7 =	rddreg [dreg:$0x8]  }
0x30: {  	[tilespmem:s7], [sflag:$0x1] =	stream.indirect_vreg.gather [hbm4b:s1+s3], $0x80, v3, vm0, $0xb8;
	[tilespmem:$0x10100] =	vst v63  }
0x31: {  	v3 =	vld [tilespmem:$0x20];
	_ =	sdelay $0x4  }
0x32: {  	v50 =	vshll.u32 v3, $0x1  }
0x33: {  	v3 =	vand.u32 $0x7, v3;
	v4 =	vand.u32 $0xFFFFFFF0, v50  }
0x34: {  	v3 =	vor.u32 v3, v4  }
0x35: {  	v4 =	vperm.xlane v3, v0;
	_ =	sdelay $0x1  }
0x36: {  	v3 =	vperm.xlane v3, v2;
	v4 =	vadd.s32 v1, v4;
	_ =	sdelay $0x1  }
0x37: {  	v3 =	vadd.s32 v1, v3;
	_ =	sdelay $0x1  }
0x38: {  	s0 =	rddreg [dreg:$0x9]  }
0x39: {  	[tilespmem:s0], [sflag:$0x1] =	stream.indirect_vreg.gather [hbm4b:s1+s3], $0x80, v4, vm0, $0xb8;
	[tilespmem:$0x10100] =	vst v63  }
0x3a: {  	s7 =	rddreg [dreg:$0xa]  }
0x3b: {  	[tilespmem:s7], [sflag:$0x1] =	stream.indirect_vreg.gather [hbm4b:s1+s3], $0x80, v3, vm0, $0xb8;
	[tilespmem:$0x10100] =	vst v63  }
0x3c: {  	v3 =	vld [tilespmem:$0x30];
	_ =	sdelay $0x4  }
0x3d: {  	v51 =	vshll.u32 v3, $0x1  }
0x3e: {  	v3 =	vand.u32 $0x7, v3;
	v4 =	vand.u32 $0xFFFFFFF0, v51  }
0x3f: {  	v3 =	vor.u32 v3, v4  }
0x40: {  	v4 =	vperm.xlane v3, v0;
	_ =	sdelay $0x1  }
0x41: {  	v3 =	vperm.xlane v3, v2;
	v4 =	vadd.s32 v1, v4;
	_ =	sdelay $0x1  }
0x42: {  	v3 =	vadd.s32 v1, v3;
	_ =	sdelay $0x1  }
0x43: {  	s0 =	rddreg [dreg:$0xb]  }
0x44: {  	[tilespmem:s0], [sflag:$0x1] =	stream.indirect_vreg.gather [hbm4b:s1+s3], $0x80, v4, vm0, $0xb8;
	[tilespmem:$0x10100] =	vst v63  }
0x45: {  	s7 =	rddreg [dreg:$0xc]  }
0x46: {  	[tilespmem:s7], [sflag:$0x1] =	stream.indirect_vreg.gather [hbm4b:s1+s3], $0x80, v3, vm0, $0xb8;
	[tilespmem:$0x10100] =	vst v63  }
0x47: {  	v3 =	vld [tilespmem:$0x40];
	_ =	sdelay $0x4  }
0x48: {  	v52 =	vshll.u32 v3, $0x1  }
0x49: {  	v3 =	vand.u32 $0x7, v3;
	v4 =	vand.u32 $0xFFFFFFF0, v52  }
0x4a: {  	v3 =	vor.u32 v3, v4  }
0x4b: {  	v4 =	vperm.xlane v3, v0;
	_ =	sdelay $0x1  }
0x4c: {  	v3 =	vperm.xlane v3, v2;
	v4 =	vadd.s32 v1, v4;
	_ =	sdelay $0x1  }
0x4d: {  	v3 =	vadd.s32 v1, v3;
	_ =	sdelay $0x1  }
0x4e: {  	s7 =	simm.s32 $0x4100  }
0x4f: {  	[tilespmem:s7], [sflag:$0x1] =	stream.indirect_vreg.gather [hbm4b:s1+s3], $0x80, v4, vm0, $0xb8;
	[tilespmem:$0x10100] =	vst v63  }
0x50: {  	_ = 	snop  }
0x51: {  	[tilespmem:s8], [sflag:$0x1] =	stream.indirect_vreg.gather [hbm4b:s1+s3], $0x80, v3, vm0, $0xb8;
	[tilespmem:$0x10100] =	vst v63  }
0x52: {  	v3 =	vld [tilespmem:$0x50];
	_ =	sdelay $0x4  }
0x53: {  	v53 =	vshll.u32 v3, $0x1  }
0x54: {  	v3 =	vand.u32 $0x7, v3;
	v4 =	vand.u32 $0xFFFFFFF0, v53  }
0x55: {  	v3 =	vor.u32 v3, v4  }
0x56: {  	v4 =	vperm.xlane v3, v0;
	_ =	sdelay $0x1  }
0x57: {  	v3 =	vperm.xlane v3, v2;
	v4 =	vadd.s32 v1, v4;
	_ =	sdelay $0x1  }
0x58: {  	v3 =	vadd.s32 v1, v3;
	_ =	sdelay $0x2  }
0x59: {  	[tilespmem:s9], [sflag:$0x1] =	stream.indirect_vreg.gather [hbm4b:s1+s3], $0x80, v4, vm0, $0xb8;
	[tilespmem:$0x10100] =	vst v63  }
0x5a: {  	_ = 	snop  }
0x5b: {  	[tilespmem:s10], [sflag:$0x1] =	stream.indirect_vreg.gather [hbm4b:s1+s3], $0x80, v3, vm0, $0xb8;
	[tilespmem:$0x10100] =	vst v63  }
0x5c: {  	v3 =	vld [tilespmem:$0x60];
	_ =	sdelay $0x4  }
0x5d: {  	v54 =	vshll.u32 v3, $0x1  }
0x5e: {  	v3 =	vand.u32 $0x7, v3;
	v4 =	vand.u32 $0xFFFFFFF0, v54  }
0x5f: {  	v3 =	vor.u32 v3, v4  }
0x60: {  	v4 =	vperm.xlane v3, v0;
	_ =	sdelay $0x1  }
0x61: {  	v3 =	vperm.xlane v3, v2;
	v4 =	vadd.s32 v1, v4;
	_ =	sdelay $0x1  }
0x62: {  	v3 =	vadd.s32 v1, v3;
	_ =	sdelay $0x2  }
0x63: {  	[tilespmem:s11], [sflag:$0x1] =	stream.indirect_vreg.gather [hbm4b:s1+s3], $0x80, v4, vm0, $0xb8;
	[tilespmem:$0x10100] =	vst v63  }
0x64: {  	_ = 	snop  }
0x65: {  	[tilespmem:s12], [sflag:$0x1] =	stream.indirect_vreg.gather [hbm4b:s1+s3], $0x80, v3, vm0, $0xb8;
	[tilespmem:$0x10100] =	vst v63  }
0x66: {  	v3 =	vld [tilespmem:$0x70];
	_ =	sdelay $0x4  }
0x67: {  	v55 =	vshll.u32 v3, $0x1  }
0x68: {  	v3 =	vand.u32 $0x7, v3;
	v4 =	vand.u32 $0xFFFFFFF0, v55  }
0x69: {  	v3 =	vor.u32 v3, v4  }
0x6a: {  	v4 =	vperm.xlane v3, v0;
	_ =	sdelay $0x1  }
0x6b: {  	v3 =	vperm.xlane v3, v2;
	v4 =	vadd.s32 v1, v4;
	_ =	sdelay $0x1  }
0x6c: {  	v3 =	vadd.s32 v1, v3;
	_ =	sdelay $0x2  }
0x6d: {  	[tilespmem:s13], [sflag:$0x1] =	stream.indirect_vreg.gather [hbm4b:s1+s3], $0x80, v4, vm0, $0xb8;
	[tilespmem:$0x10100] =	vst v63  }
0x6e: {  	_ = 	snop  }
0x6f: {  	[tilespmem:s14], [sflag:$0x1] =	stream.indirect_vreg.gather [hbm4b:s1+s3], $0x80, v3, vm0, $0xb8;
	[tilespmem:$0x10100] =	vst v63  }
0x70: {  	v3 =	vld [tilespmem:$0x80];
	_ =	sdelay $0x4  }
0x71: {  	v56 =	vshll.u32 v3, $0x1  }
0x72: {  	v3 =	vand.u32 $0x7, v3;
	v4 =	vand.u32 $0xFFFFFFF0, v56  }
0x73: {  	v3 =	vor.u32 v3, v4  }
0x74: {  	v4 =	vperm.xlane v3, v0;
	_ =	sdelay $0x1  }
0x75: {  	v3 =	vperm.xlane v3, v2;
	v4 =	vadd.s32 v1, v4;
	_ =	sdelay $0x1  }
0x76: {  	v3 =	vadd.s32 v1, v3;
	_ =	sdelay $0x2  }
0x77: {  	[tilespmem:s15], [sflag:$0x1] =	stream.indirect_vreg.gather [hbm4b:s1+s3], $0x80, v4, vm0, $0xb8;
	[tilespmem:$0x10100] =	vst v63  }
0x78: {  	_ = 	snop  }
0x79: {  	[tilespmem:s16], [sflag:$0x1] =	stream.indirect_vreg.gather [hbm4b:s1+s3], $0x80, v3, vm0, $0xb8;
	[tilespmem:$0x10100] =	vst v63  }
0x7a: {  	v3 =	vld [tilespmem:$0x90];
	_ =	sdelay $0x4  }
0x7b: {  	v57 =	vshll.u32 v3, $0x1  }
0x7c: {  	v3 =	vand.u32 $0x7, v3;
	v4 =	vand.u32 $0xFFFFFFF0, v57  }
0x7d: {  	v3 =	vor.u32 v3, v4  }
0x7e: {  	v4 =	vperm.xlane v3, v0;
	_ =	sdelay $0x1  }
0x7f: {  	v3 =	vperm.xlane v3, v2;
	v4 =	vadd.s32 v1, v4;
	_ =	sdelay $0x1  }
0x80: {  	v3 =	vadd.s32 v1, v3;
	_ =	sdelay $0x2  }
0x81: {  	[tilespmem:s17], [sflag:$0x1] =	stream.indirect_vreg.gather [hbm4b:s1+s3], $0x80, v4, vm0, $0xb8;
	[tilespmem:$0x10100] =	vst v63  }
0x82: {  	_ = 	snop  }
0x83: {  	[tilespmem:s18], [sflag:$0x1] =	stream.indirect_vreg.gather [hbm4b:s1+s3], $0x80, v3, vm0, $0xb8;
	[tilespmem:$0x10100] =	vst v63  }
0x84: {  	v3 =	vld [tilespmem:$0xA0];
	_ =	sdelay $0x4  }
0x85: {  	v58 =	vshll.u32 v3, $0x1  }
0x86: {  	v3 =	vand.u32 $0x7, v3;
	v4 =	vand.u32 $0xFFFFFFF0, v58  }
0x87: {  	v3 =	vor.u32 v3, v4  }
0x88: {  	v4 =	vperm.xlane v3, v0;
	_ =	sdelay $0x1  }
0x89: {  	v3 =	vperm.xlane v3, v2;
	v4 =	vadd.s32 v1, v4;
	_ =	sdelay $0x1  }
0x8a: {  	v3 =	vadd.s32 v1, v3;
	_ =	sdelay $0x2  }
0x8b: {  	[tilespmem:s19], [sflag:$0x1] =	stream.indirect_vreg.gather [hbm4b:s1+s3], $0x80, v4, vm0, $0xb8;
	[tilespmem:$0x10100] =	vst v63  }
0x8c: {  	_ = 	snop  }
0x8d: {  	[tilespmem:s20], [sflag:$0x1] =	stream.indirect_vreg.gather [hbm4b:s1+s3], $0x80, v3, vm0, $0xb8;
	[tilespmem:$0x10100] =	vst v63  }
0x8e: {  	v3 =	vld [tilespmem:$0xB0];
	_ =	sdelay $0x4  }
0x8f: {  	v59 =	vshll.u32 v3, $0x1  }
0x90: {  	v3 =	vand.u32 $0x7, v3;
	v4 =	vand.u32 $0xFFFFFFF0, v59  }
0x91: {  	v3 =	vor.u32 v3, v4  }
0x92: {  	v4 =	vperm.xlane v3, v0;
	_ =	sdelay $0x1  }
0x93: {  	v3 =	vperm.xlane v3, v2;
	v4 =	vadd.s32 v1, v4;
	_ =	sdelay $0x1  }
0x94: {  	v3 =	vadd.s32 v1, v3;
	_ =	sdelay $0x2  }
0x95: {  	[tilespmem:s21], [sflag:$0x1] =	stream.indirect_vreg.gather [hbm4b:s1+s3], $0x80, v4, vm0, $0xb8;
	[tilespmem:$0x10100] =	vst v63  }
0x96: {  	_ = 	snop  }
0x97: {  	[tilespmem:s22], [sflag:$0x1] =	stream.indirect_vreg.gather [hbm4b:s1+s3], $0x80, v3, vm0, $0xb8;
	[tilespmem:$0x10100] =	vst v63  }
0x98: {  	v3 =	vld [tilespmem:$0xC0];
	_ =	sdelay $0x4  }
0x99: {  	v60 =	vshll.u32 v3, $0x1  }
0x9a: {  	v3 =	vand.u32 $0x7, v3;
	v4 =	vand.u32 $0xFFFFFFF0, v60  }
0x9b: {  	v3 =	vor.u32 v3, v4  }
0x9c: {  	v4 =	vperm.xlane v3, v0;
	_ =	sdelay $0x1  }
0x9d: {  	v3 =	vperm.xlane v3, v2;
	v4 =	vadd.s32 v1, v4;
	_ =	sdelay $0x1  }
0x9e: {  	v3 =	vadd.s32 v1, v3;
	_ =	sdelay $0x2  }
0x9f: {  	[tilespmem:s23], [sflag:$0x1] =	stream.indirect_vreg.gather [hbm4b:s1+s3], $0x80, v4, vm0, $0xb8;
	[tilespmem:$0x10100] =	vst v63  }
0xa0: {  	_ = 	snop  }
0xa1: {  	[tilespmem:s24], [sflag:$0x1] =	stream.indirect_vreg.gather [hbm4b:s1+s3], $0x80, v3, vm0, $0xb8;
	[tilespmem:$0x10100] =	vst v63  }
0xa2: {  	v3 =	vld [tilespmem:$0xD0];
	_ =	sdelay $0x4  }
0xa3: {  	v61 =	vshll.u32 v3, $0x1  }
0xa4: {  	v3 =	vand.u32 $0x7, v3;
	v4 =	vand.u32 $0xFFFFFFF0, v61  }
0xa5: {  	v3 =	vor.u32 v3, v4  }
0xa6: {  	v4 =	vperm.xlane v3, v0;
	_ =	sdelay $0x1  }
0xa7: {  	v3 =	vperm.xlane v3, v2;
	v4 =	vadd.s32 v1, v4;
	_ =	sdelay $0x1  }
0xa8: {  	v3 =	vadd.s32 v1, v3;
	_ =	sdelay $0x2  }
0xa9: {  	[tilespmem:s25], [sflag:$0x1] =	stream.indirect_vreg.gather [hbm4b:s1+s3], $0x80, v4, vm0, $0xb8;
	[tilespmem:$0x10100] =	vst v63  }
0xaa: {  	_ = 	snop  }
0xab: {  	[tilespmem:s26], [sflag:$0x1] =	stream.indirect_vreg.gather [hbm4b:s1+s3], $0x80, v3, vm0, $0xb8;
	[tilespmem:$0x10100] =	vst v63  }
0xac: {  	v3 =	vld [tilespmem:$0xE0];
	_ =	sdelay $0x4  }
0xad: {  	v62 =	vshll.u32 v3, $0x1  }
0xae: {  	v3 =	vand.u32 $0x7, v3;
	v4 =	vand.u32 $0xFFFFFFF0, v62  }
0xaf: {  	v3 =	vor.u32 v3, v4  }
0xb0: {  	v4 =	vperm.xlane v3, v0;
	_ =	sdelay $0x1  }
0xb1: {  	v3 =	vperm.xlane v3, v2;
	v4 =	vadd.s32 v1, v4;
	_ =	sdelay $0x1  }
0xb2: {  	v3 =	vadd.s32 v1, v3;
	_ =	sdelay $0x2  }
0xb3: {  	[tilespmem:s28], [sflag:$0x1] =	stream.indirect_vreg.gather [hbm4b:s1+s3], $0x80, v4, vm0, $0xb8;
	[tilespmem:$0x10100] =	vst v63  }
0xb4: {  	_ = 	snop  }
0xb5: {  	[tilespmem:s29], [sflag:$0x1] =	stream.indirect_vreg.gather [hbm4b:s1+s3], $0x80, v3, vm0, $0xb8;
	[tilespmem:$0x10100] =	vst v63  }
0xb6: {  	v3 =	vld [tilespmem:$0xF0];
	_ =	sdelay $0x4  }
0xb7: {  	v63 =	vshll.u32 v3, $0x1  }
0xb8: {  	v3 =	vand.u32 $0x7, v3;
	v4 =	vand.u32 $0xFFFFFFF0, v63  }
0xb9: {  	v3 =	vor.u32 v3, v4  }
0xba: {  	v4 =	vperm.xlane v3, v0;
	_ =	sdelay $0x1  }
0xbb: {  	v3 =	vperm.xlane v3, v2;
	v4 =	vadd.s32 v1, v4;
	_ =	sdelay $0x1  }
0xbc: {  	v3 =	vadd.s32 v1, v3;
	_ =	sdelay $0x2  }
0xbd: {  	[tilespmem:s30], [sflag:$0x1] =	stream.indirect_vreg.gather [hbm4b:s1+s3], $0x80, v4, vm0, $0xb8;
	[tilespmem:$0x10100] =	vst v63  }
0xbe: {  	_ = 	snop  }
0xbf: {  	[tilespmem:s31], [sflag:$0x1] =	stream.indirect_vreg.gather [hbm4b:s1+s3], $0x80, v3, vm0, $0xb8;
	[tilespmem:$0x10100] =	vst v63  }
0xc0: {  	_ =	swait.ge [sflag:s2], $0x10000  }
0xc1: {  	p0 =	sne.s32 s4, $0x1;
	[sflag:s2] =	ssyncset.done $0x0  }
.Ltmp0:
0xc2: {  	s7 =	rddreg [dreg:$0x5];
	[sflag:s2] =	ssyncadd.s32 $0xFFFF0000;
	(pc) =	sbr.rel @p0 .LBB2_1-.Ltmp0, $4  }
0xc3: {  	[hbm4b:s7+s3] =	stream.linear.scatter [tilespmem:s6], [sflag:$0x2], $0x10000, $0x38;
	[tilespmem:$0x10100] =	vst v63  }
0xc4: {  	_ =	swait.ge [sflag:s5], $0x10000  }
0xc5: {  	[sflag:s5] =	ssyncset.done $0x0  }
0xc6: {  	s4 =	sadd.s32 $0xFFFFFFFF, s4;
	[sflag:s5] =	ssyncadd.s32 $0xFFFF0000  }
0xc7: {  	_ =	sfence.sel $0x180000  }
0xc8: {  	[bflag:$0x0] =	sbarrier.arrive $0xFFFF  }
0xc9: {  	_ =	strace $0x90000047  }
0xca: {  	s0 =	stileid.u32;
	[bflag:$0x2] =	sbarrier.arrive $0xFFFF  }
0xcb: {  	p0 =	sne.s32 s0, $0x0;
	s0 =	rddreg [dreg:$0x3]  }
0xcc: {  	s0 =	sadd.s32 @!p0 $0x100000, s0  }
0xcd: {  	[sflag:s0] =	ssyncadd.tile.s32 @!p0 $0x1;
	_ =	shalt  }
.Lfunc_end2:
_tile_overlayer_lowered:
.L_overlay_start_2:
0xce: {  	(tag) =	ssettag $0x2  }
0xcf: {  	s0 =	rddreg [dreg:$0x0];
	s2 =	stileid.u32  }
0xd0: {  	s1 =	rddreg [dreg:$0x1];
	p0 =	sne.s32 s2, $0x0  }
0xd1: {  	s3 =	rddreg [dreg:$0x2];
	[bflag:$0x3] =	sbarrier.arrive $0xFFFF;
	s2 =	simm.s32 @!p0 $0x1C02  }
0xd2: {  	[timem:s3], [sflag:s2] =	dma.local @!p0 [hbm:s0], s1  }
0xd3: {  	s0 =	simm.s32 @!p0 $0x2  }
0xd4: {  	_ =	swait.ge @!p0 [sflag:s0], s1  }
0xd5: {  	s1 =	ssub.s32 @!p0 $0x0, s1;
	[sflag:s0] =	ssyncset.done @!p0 $0x0  }
0xd6: {  	[sflag:s0] =	ssyncadd.s32 @!p0 s1  }
0xd7: {  	[bflag:$0x3] =	sbarrier.arrive $0xFFFF  }
0xd8: {  	_ =	shalt  }

</sc_bundles>
